<compile_context>
chip_gen: v7x
topology: tpu7x:2x2x1
jax: 0.10.2.dev20260603
libtpu: 0.0.44.dev20260713+nightly
codegen_flags: <defaults>
</compile_context>

<pallas_src>
import functools
import jax
import jax.numpy as jnp
from jax import lax
from jax.experimental import pallas as pl
from jax.experimental.pallas import tpu as pltpu
from jax.experimental.pallas import tpu_sc as plsc

BATCH = 4
SEQ = 8192
D_MODEL = 1024
NUM_CORES = 2
NUM_SUBCORES = 16
NUM_WORKERS = NUM_CORES * NUM_SUBCORES
ROWS_PER_WORKER = SEQ // NUM_WORKERS
TILE_ROWS = 4
NTILES = ROWS_PER_WORKER // TILE_ROWS
NGROUPS = 6
LANES = 16
VECS_PER_TILE = TILE_ROWS * D_MODEL // LANES
COLS = D_MODEL // LANES

_K = (NTILES - NGROUPS) // NGROUPS


def _sc_body(x_hbm, emb_hbm, out_hbm, *scr):
    e_bufs = scr[0:NGROUPS]
    x_bufs = scr[NGROUPS:2 * NGROUPS]
    se = scr[2 * NGROUPS:3 * NGROUPS]
    sx = scr[3 * NGROUPS:4 * NGROUPS]
    so = scr[4 * NGROUPS:5 * NGROUPS]

    wid = lax.axis_index("s") * NUM_CORES + lax.axis_index("c")
    base = wid * ROWS_PER_WORKER

    def issue_in(t, g):
        row0 = base + t * TILE_ROWS
        pltpu.async_copy(emb_hbm.at[pl.ds(row0, TILE_ROWS)], e_bufs[g], se[g])
        pltpu.async_copy(x_hbm.at[:, pl.ds(row0, TILE_ROWS), :], x_bufs[g], sx[g])

    def wait_in(g):
        pltpu.make_async_copy(
            emb_hbm.at[pl.ds(base, TILE_ROWS)], e_bufs[g], se[g]).wait()
        pltpu.make_async_copy(
            x_hbm.at[:, pl.ds(base, TILE_ROWS), :], x_bufs[g], sx[g]).wait()

    def wait_out(g):
        pltpu.make_async_copy(
            x_bufs[g], out_hbm.at[:, pl.ds(base, TILE_ROWS), :], so[g]).wait()

    def compute_and_out(t, g):
        e_v, x_v = e_bufs[g], x_bufs[g]
        row0 = base + t * TILE_ROWS

        def vec_body(i, carry):
            r = i // COLS
            c0 = (i % COLS) * LANES
            e = e_v[r, pl.ds(c0, LANES)]
            for b in range(BATCH):
                x_v[b, r, pl.ds(c0, LANES)] = x_v[b, r, pl.ds(c0, LANES)] + e
            return carry

        pltpu.async_copy(x_v, out_hbm.at[:, pl.ds(row0, TILE_ROWS), :], so[g])

    def stage(t, g, do_wait_out=True, do_issue=True):
        if do_wait_out:
            wait_out((g - 2) % NGROUPS)
        if do_issue:
            issue_in(t + NGROUPS - 2, (g - 2) % NGROUPS)
        wait_in(g)
        compute_and_out(t, g)

    for t in range(NGROUPS - 2):
        issue_in(t, t % NGROUPS)
    stage(0, 0, do_wait_out=False)
    stage(1, 1, do_wait_out=False)

    def loop_body(k, carry):
        t0 = 2 + NGROUPS * k
        for j in range(NGROUPS):
            stage(t0 + j, (2 + j) % NGROUPS)
        return carry

    lax.fori_loop(0, _K, loop_body, 0)

    for t in range(2 + NGROUPS * _K, NTILES):
        stage(t, t % NGROUPS, do_issue=(t + NGROUPS - 2 < NTILES))
    wait_out((NTILES - 2) % NGROUPS)
    wait_out((NTILES - 1) % NGROUPS)


def kernel(x, emb_weight):
    mesh = plsc.VectorSubcoreMesh(core_axis_name="c", subcore_axis_name="s")
    scratch = (
        [pltpu.VMEM((TILE_ROWS, D_MODEL), jnp.float32)] * NGROUPS
        + [pltpu.VMEM((BATCH, TILE_ROWS, D_MODEL), jnp.float32)] * NGROUPS
        + [pltpu.SemaphoreType.DMA] * (3 * NGROUPS)
    )
    run = functools.partial(
        pl.kernel,
        out_type=jax.ShapeDtypeStruct((BATCH, SEQ, D_MODEL), jnp.float32),
        mesh=mesh,
        scratch_types=scratch,
    )(_sc_body)
    return run(x, emb_weight)

# --- scband reference (transcript-rebuilt; emitter-appended) ---
"""Pipeline reference for scband-positional-encoding-87660282511524 (READ-ONLY COPY).

The authoritative reference and input builder live on the scoring server;
editing this copy changes nothing except your own understanding.
"""

import jax, jax.numpy as jnp
import numpy as np

D_MODEL = 1024
NUM_POSITIONS = 8192
BATCH = 4
SEQ_LEN = 8192


def setup_inputs(seed: int = 0) -> dict:
    key = jax.random.key(seed)
    k_x, k_emb = jax.random.split(key)
    x = jax.random.normal(k_x, (BATCH, SEQ_LEN, D_MODEL), dtype=jnp.float32)
    # nn.Embedding default init: N(0, 1)
    emb_weight = jax.random.normal(k_emb, (NUM_POSITIONS, D_MODEL), dtype=jnp.float32)
    return {"x": x, "emb_weight": emb_weight}


def reference(x, emb_weight):
    # forward of PositionalEncoding with batched=True:
    # indices_to_embed = arange(seq_len); emb_unsq = emb(indices)[None]; return x + emb_unsq
    input_size = x.shape[-2]
    indices_to_embed = jnp.arange(input_size, dtype=jnp.int64 if jax.config.jax_enable_x64 else jnp.int32)
    pos_emb = jnp.take(emb_weight, indices_to_embed, axis=0)  # [seq_len, d_model]
    return x + pos_emb[None, :, :]

if __name__ == "__main__":
    import jax
    _d = setup_inputs()
    print(jax.jit(kernel)(*tuple(_d.values())))

</pallas_src>

<mosaic_0001>
#map = affine_map<(d0, d1) -> (0, 0, 0)>
#map1 = affine_map<(d0, d1) -> (0, 0)>
module attributes {stable_mosaic.version = 14 : i64} {
  func.func @_sc_body(%arg0: i32, %arg1: i32, %arg2: memref<4x8192x1024xf32, #tpu.memory_space<hbm>>, %arg3: memref<8192x1024xf32, #tpu.memory_space<hbm>>, %arg4: memref<4x8192x1024xf32, #tpu.memory_space<hbm>>, %arg5: memref<4x1024xf32, #tpu.memory_space<vmem>>, %arg6: memref<4x1024xf32, #tpu.memory_space<vmem>>, %arg7: memref<4x1024xf32, #tpu.memory_space<vmem>>, %arg8: memref<4x1024xf32, #tpu.memory_space<vmem>>, %arg9: memref<4x1024xf32, #tpu.memory_space<vmem>>, %arg10: memref<4x1024xf32, #tpu.memory_space<vmem>>, %arg11: memref<4x4x1024xf32, #tpu.memory_space<vmem>>, %arg12: memref<4x4x1024xf32, #tpu.memory_space<vmem>>, %arg13: memref<4x4x1024xf32, #tpu.memory_space<vmem>>, %arg14: memref<4x4x1024xf32, #tpu.memory_space<vmem>>, %arg15: memref<4x4x1024xf32, #tpu.memory_space<vmem>>, %arg16: memref<4x4x1024xf32, #tpu.memory_space<vmem>>, %arg17: memref<!tpu.dma_semaphore, #tpu.memory_space<semaphore_mem>>, %arg18: memref<!tpu.dma_semaphore, #tpu.memory_space<semaphore_mem>>, %arg19: memref<!tpu.dma_semaphore, #tpu.memory_space<semaphore_mem>>, %arg20: memref<!tpu.dma_semaphore, #tpu.memory_space<semaphore_mem>>, %arg21: memref<!tpu.dma_semaphore, #tpu.memory_space<semaphore_mem>>, %arg22: memref<!tpu.dma_semaphore, #tpu.memory_space<semaphore_mem>>, %arg23: memref<!tpu.dma_semaphore, #tpu.memory_space<semaphore_mem>>, %arg24: memref<!tpu.dma_semaphore, #tpu.memory_space<semaphore_mem>>, %arg25: memref<!tpu.dma_semaphore, #tpu.memory_space<semaphore_mem>>, %arg26: memref<!tpu.dma_semaphore, #tpu.memory_space<semaphore_mem>>, %arg27: memref<!tpu.dma_semaphore, #tpu.memory_space<semaphore_mem>>, %arg28: memref<!tpu.dma_semaphore, #tpu.memory_space<semaphore_mem>>, %arg29: memref<!tpu.dma_semaphore, #tpu.memory_space<semaphore_mem>>, %arg30: memref<!tpu.dma_semaphore, #tpu.memory_space<semaphore_mem>>, %arg31: memref<!tpu.dma_semaphore, #tpu.memory_space<semaphore_mem>>, %arg32: memref<!tpu.dma_semaphore, #tpu.memory_space<semaphore_mem>>, %arg33: memref<!tpu.dma_semaphore, #tpu.memory_space<semaphore_mem>>, %arg34: memref<!tpu.dma_semaphore, #tpu.memory_space<semaphore_mem>>) attributes {dimension_semantics = [#tpu.dimension_semantics<core_parallel>, #tpu.dimension_semantics<subcore_parallel>], iteration_bounds = array<i64: 2, 16>, scalar_prefetch = 0 : i64, scratch_operands = 30 : i64, tpu.core_type = #tpu.core_type<sc_vector_subcore>, window_params = [{transform_indices = #map}, {transform_indices = #map1}, {transform_indices = #map}]} {
    %mul3A = arith.constant 2 : i32
    %mul3A_0 = arith.muli %arg1, %mul3A : i32
    %add3A = arith.addi %mul3A_0, %arg0 : i32
    %mul3A_1 = arith.constant 256 : i32
    %mul3A_2 = arith.muli %add3A, %mul3A_1 : i32
    %add3A_3 = arith.constant 0 : i32
    %add3A_4 = arith.addi %mul3A_2, %add3A_3 : i32
    %dma_start3A = arith.constant 0 : i32
    %dma_start3A_5 = tpu.memref_slice %arg3[%add3A_4, %dma_start3A] : memref<8192x1024xf32, #tpu.memory_space<hbm>> -> memref<4x1024xf32, #tpu.memory_space<hbm>>
    %dma_start3A_6 = arith.constant 0 : i32
    %dma_start3A_7 = tpu.memref_slice %arg3[%add3A_4, %dma_start3A_6] : memref<8192x1024xf32, #tpu.memory_space<hbm>> -> memref<4x1024xf32, #tpu.memory_space<hbm>>
    tpu.enqueue_dma source(%dma_start3A_7 : memref<4x1024xf32, #tpu.memory_space<hbm>>) target(%arg5 : memref<4x1024xf32, #tpu.memory_space<vmem>>) target_semaphore(%arg17 : memref<!tpu.dma_semaphore, #tpu.memory_space<semaphore_mem>>)
    %dma_start3A_8 = arith.constant 0 : i32
    %dma_start3A_9 = arith.constant 0 : i32
    %dma_start3A_10 = tpu.memref_slice %arg2[%dma_start3A_8, %add3A_4, %dma_start3A_9] : memref<4x8192x1024xf32, #tpu.memory_space<hbm>> -> memref<4x4x1024xf32, #tpu.memory_space<hbm>>
    %dma_start3A_11 = arith.constant 0 : i32
    %dma_start3A_12 = arith.constant 0 : i32
    %dma_start3A_13 = tpu.memref_slice %arg2[%dma_start3A_11, %add3A_4, %dma_start3A_12] : memref<4x8192x1024xf32, #tpu.memory_space<hbm>> -> memref<4x4x1024xf32, #tpu.memory_space<hbm>>
    tpu.enqueue_dma source(%dma_start3A_13 : memref<4x4x1024xf32, #tpu.memory_space<hbm>>) target(%arg11 : memref<4x4x1024xf32, #tpu.memory_space<vmem>>) target_semaphore(%arg23 : memref<!tpu.dma_semaphore, #tpu.memory_space<semaphore_mem>>)
    %add3A_14 = arith.constant 4 : i32
    %add3A_15 = arith.addi %mul3A_2, %add3A_14 : i32
    %dma_start3A_16 = arith.constant 0 : i32
    %dma_start3A_17 = tpu.memref_slice %arg3[%add3A_15, %dma_start3A_16] : memref<8192x1024xf32, #tpu.memory_space<hbm>> -> memref<4x1024xf32, #tpu.memory_space<hbm>>
    %dma_start3A_18 = arith.constant 0 : i32
    %dma_start3A_19 = tpu.memref_slice %arg3[%add3A_15, %dma_start3A_18] : memref<8192x1024xf32, #tpu.memory_space<hbm>> -> memref<4x1024xf32, #tpu.memory_space<hbm>>
    tpu.enqueue_dma source(%dma_start3A_19 : memref<4x1024xf32, #tpu.memory_space<hbm>>) target(%arg6 : memref<4x1024xf32, #tpu.memory_space<vmem>>) target_semaphore(%arg18 : memref<!tpu.dma_semaphore, #tpu.memory_space<semaphore_mem>>)
    %dma_start3A_20 = arith.constant 0 : i32
    %dma_start3A_21 = arith.constant 0 : i32
    %dma_start3A_22 = tpu.memref_slice %arg2[%dma_start3A_20, %add3A_15, %dma_start3A_21] : memref<4x8192x1024xf32, #tpu.memory_space<hbm>> -> memref<4x4x1024xf32, #tpu.memory_space<hbm>>
    %dma_start3A_23 = arith.constant 0 : i32
    %dma_start3A_24 = arith.constant 0 : i32
    %dma_start3A_25 = tpu.memref_slice %arg2[%dma_start3A_23, %add3A_15, %dma_start3A_24] : memref<4x8192x1024xf32, #tpu.memory_space<hbm>> -> memref<4x4x1024xf32, #tpu.memory_space<hbm>>
    tpu.enqueue_dma source(%dma_start3A_25 : memref<4x4x1024xf32, #tpu.memory_space<hbm>>) target(%arg12 : memref<4x4x1024xf32, #tpu.memory_space<vmem>>) target_semaphore(%arg24 : memref<!tpu.dma_semaphore, #tpu.memory_space<semaphore_mem>>)
    %add3A_26 = arith.constant 8 : i32
    %add3A_27 = arith.addi %mul3A_2, %add3A_26 : i32
    %dma_start3A_28 = arith.constant 0 : i32
    %dma_start3A_29 = tpu.memref_slice %arg3[%add3A_27, %dma_start3A_28] : memref<8192x1024xf32, #tpu.memory_space<hbm>> -> memref<4x1024xf32, #tpu.memory_space<hbm>>
    %dma_start3A_30 = arith.constant 0 : i32
    %dma_start3A_31 = tpu.memref_slice %arg3[%add3A_27, %dma_start3A_30] : memref<8192x1024xf32, #tpu.memory_space<hbm>> -> memref<4x1024xf32, #tpu.memory_space<hbm>>
    tpu.enqueue_dma source(%dma_start3A_31 : memref<4x1024xf32, #tpu.memory_space<hbm>>) target(%arg7 : memref<4x1024xf32, #tpu.memory_space<vmem>>) target_semaphore(%arg19 : memref<!tpu.dma_semaphore, #tpu.memory_space<semaphore_mem>>)
    %dma_start3A_32 = arith.constant 0 : i32
    %dma_start3A_33 = arith.constant 0 : i32
    %dma_start3A_34 = tpu.memref_slice %arg2[%dma_start3A_32, %add3A_27, %dma_start3A_33] : memref<4x8192x1024xf32, #tpu.memory_space<hbm>> -> memref<4x4x1024xf32, #tpu.memory_space<hbm>>
    %dma_start3A_35 = arith.constant 0 : i32
    %dma_start3A_36 = arith.constant 0 : i32
    %dma_start3A_37 = tpu.memref_slice %arg2[%dma_start3A_35, %add3A_27, %dma_start3A_36] : memref<4x8192x1024xf32, #tpu.memory_space<hbm>> -> memref<4x4x1024xf32, #tpu.memory_space<hbm>>
    tpu.enqueue_dma source(%dma_start3A_37 : memref<4x4x1024xf32, #tpu.memory_space<hbm>>) target(%arg13 : memref<4x4x1024xf32, #tpu.memory_space<vmem>>) target_semaphore(%arg25 : memref<!tpu.dma_semaphore, #tpu.memory_space<semaphore_mem>>)
    %add3A_38 = arith.constant 12 : i32
    %add3A_39 = arith.addi %mul3A_2, %add3A_38 : i32
    %dma_start3A_40 = arith.constant 0 : i32
    %dma_start3A_41 = tpu.memref_slice %arg3[%add3A_39, %dma_start3A_40] : memref<8192x1024xf32, #tpu.memory_space<hbm>> -> memref<4x1024xf32, #tpu.memory_space<hbm>>
    %dma_start3A_42 = arith.constant 0 : i32
    %dma_start3A_43 = tpu.memref_slice %arg3[%add3A_39, %dma_start3A_42] : memref<8192x1024xf32, #tpu.memory_space<hbm>> -> memref<4x1024xf32, #tpu.memory_space<hbm>>
    tpu.enqueue_dma source(%dma_start3A_43 : memref<4x1024xf32, #tpu.memory_space<hbm>>) target(%arg8 : memref<4x1024xf32, #tpu.memory_space<vmem>>) target_semaphore(%arg20 : memref<!tpu.dma_semaphore, #tpu.memory_space<semaphore_mem>>)
    %dma_start3A_44 = arith.constant 0 : i32
    %dma_start3A_45 = arith.constant 0 : i32
    %dma_start3A_46 = tpu.memref_slice %arg2[%dma_start3A_44, %add3A_39, %dma_start3A_45] : memref<4x8192x1024xf32, #tpu.memory_space<hbm>> -> memref<4x4x1024xf32, #tpu.memory_space<hbm>>
    %dma_start3A_47 = arith.constant 0 : i32
    %dma_start3A_48 = arith.constant 0 : i32
    %dma_start3A_49 = tpu.memref_slice %arg2[%dma_start3A_47, %add3A_39, %dma_start3A_48] : memref<4x8192x1024xf32, #tpu.memory_space<hbm>> -> memref<4x4x1024xf32, #tpu.memory_space<hbm>>
    tpu.enqueue_dma source(%dma_start3A_49 : memref<4x4x1024xf32, #tpu.memory_space<hbm>>) target(%arg14 : memref<4x4x1024xf32, #tpu.memory_space<vmem>>) target_semaphore(%arg26 : memref<!tpu.dma_semaphore, #tpu.memory_space<semaphore_mem>>)
    %add3A_50 = arith.constant 16 : i32
    %add3A_51 = arith.addi %mul3A_2, %add3A_50 : i32
    %dma_start3A_52 = arith.constant 0 : i32
    %dma_start3A_53 = tpu.memref_slice %arg3[%add3A_51, %dma_start3A_52] : memref<8192x1024xf32, #tpu.memory_space<hbm>> -> memref<4x1024xf32, #tpu.memory_space<hbm>>
    %dma_start3A_54 = arith.constant 0 : i32
    %dma_start3A_55 = tpu.memref_slice %arg3[%add3A_51, %dma_start3A_54] : memref<8192x1024xf32, #tpu.memory_space<hbm>> -> memref<4x1024xf32, #tpu.memory_space<hbm>>
    tpu.enqueue_dma source(%dma_start3A_55 : memref<4x1024xf32, #tpu.memory_space<hbm>>) target(%arg9 : memref<4x1024xf32, #tpu.memory_space<vmem>>) target_semaphore(%arg21 : memref<!tpu.dma_semaphore, #tpu.memory_space<semaphore_mem>>)
    %dma_start3A_56 = arith.constant 0 : i32
    %dma_start3A_57 = arith.constant 0 : i32
    %dma_start3A_58 = tpu.memref_slice %arg2[%dma_start3A_56, %add3A_51, %dma_start3A_57] : memref<4x8192x1024xf32, #tpu.memory_space<hbm>> -> memref<4x4x1024xf32, #tpu.memory_space<hbm>>
    %dma_start3A_59 = arith.constant 0 : i32
    %dma_start3A_60 = arith.constant 0 : i32
    %dma_start3A_61 = tpu.memref_slice %arg2[%dma_start3A_59, %add3A_51, %dma_start3A_60] : memref<4x8192x1024xf32, #tpu.memory_space<hbm>> -> memref<4x4x1024xf32, #tpu.memory_space<hbm>>
    tpu.enqueue_dma source(%dma_start3A_61 : memref<4x4x1024xf32, #tpu.memory_space<hbm>>) target(%arg15 : memref<4x4x1024xf32, #tpu.memory_space<vmem>>) target_semaphore(%arg27 : memref<!tpu.dma_semaphore, #tpu.memory_space<semaphore_mem>>)
    %dma_wait3A = arith.constant 0 : i32
    %dma_wait3A_62 = tpu.memref_slice %arg3[%mul3A_2, %dma_wait3A] : memref<8192x1024xf32, #tpu.memory_space<hbm>> -> memref<4x1024xf32, #tpu.memory_space<hbm>>
    %dma_wait3A_63 = arith.constant 0 : i32
    %dma_wait3A_64 = tpu.memref_slice %arg3[%mul3A_2, %dma_wait3A_63] : memref<8192x1024xf32, #tpu.memory_space<hbm>> -> memref<4x1024xf32, #tpu.memory_space<hbm>>
    tpu.wait_dma2 semaphore(%arg17 : memref<!tpu.dma_semaphore, #tpu.memory_space<semaphore_mem>>) src(%dma_wait3A_64 : memref<4x1024xf32, #tpu.memory_space<hbm>>) dst(%arg5 : memref<4x1024xf32, #tpu.memory_space<vmem>>)
    %dma_wait3A_65 = arith.constant 0 : i32
    %dma_wait3A_66 = arith.constant 0 : i32
    %dma_wait3A_67 = tpu.memref_slice %arg2[%dma_wait3A_65, %mul3A_2, %dma_wait3A_66] : memref<4x8192x1024xf32, #tpu.memory_space<hbm>> -> memref<4x4x1024xf32, #tpu.memory_space<hbm>>
    %dma_wait3A_68 = arith.constant 0 : i32
    %dma_wait3A_69 = arith.constant 0 : i32
    %dma_wait3A_70 = tpu.memref_slice %arg2[%dma_wait3A_68, %mul3A_2, %dma_wait3A_69] : memref<4x8192x1024xf32, #tpu.memory_space<hbm>> -> memref<4x4x1024xf32, #tpu.memory_space<hbm>>
    tpu.wait_dma2 semaphore(%arg23 : memref<!tpu.dma_semaphore, #tpu.memory_space<semaphore_mem>>) src(%dma_wait3A_70 : memref<4x4x1024xf32, #tpu.memory_space<hbm>>) dst(%arg11 : memref<4x4x1024xf32, #tpu.memory_space<vmem>>)
    %add3A_71 = arith.constant 0 : i32
    %add3A_72 = arith.addi %mul3A_2, %add3A_71 : i32
    %dma_start3A_73 = arith.constant 0 : i32
    %dma_start3A_74 = arith.constant 0 : i32
    %dma_start3A_75 = tpu.memref_slice %arg4[%dma_start3A_73, %add3A_72, %dma_start3A_74] : memref<4x8192x1024xf32, #tpu.memory_space<hbm>> -> memref<4x4x1024xf32, #tpu.memory_space<hbm>>
    %dma_start3A_76 = arith.constant 0 : i32
    %dma_start3A_77 = arith.constant 0 : i32
    %dma_start3A_78 = tpu.memref_slice %arg4[%dma_start3A_76, %add3A_72, %dma_start3A_77] : memref<4x8192x1024xf32, #tpu.memory_space<hbm>> -> memref<4x4x1024xf32, #tpu.memory_space<hbm>>
    tpu.enqueue_dma source(%arg11 : memref<4x4x1024xf32, #tpu.memory_space<vmem>>) target(%dma_start3A_78 : memref<4x4x1024xf32, #tpu.memory_space<hbm>>) target_semaphore(%arg29 : memref<!tpu.dma_semaphore, #tpu.memory_space<semaphore_mem>>)
    %add3A_79 = arith.constant 20 : i32
    %add3A_80 = arith.addi %mul3A_2, %add3A_79 : i32
    %dma_start3A_81 = arith.constant 0 : i32
    %dma_start3A_82 = tpu.memref_slice %arg3[%add3A_80, %dma_start3A_81] : memref<8192x1024xf32, #tpu.memory_space<hbm>> -> memref<4x1024xf32, #tpu.memory_space<hbm>>
    %dma_start3A_83 = arith.constant 0 : i32
    %dma_start3A_84 = tpu.memref_slice %arg3[%add3A_80, %dma_start3A_83] : memref<8192x1024xf32, #tpu.memory_space<hbm>> -> memref<4x1024xf32, #tpu.memory_space<hbm>>
    tpu.enqueue_dma source(%dma_start3A_84 : memref<4x1024xf32, #tpu.memory_space<hbm>>) target(%arg10 : memref<4x1024xf32, #tpu.memory_space<vmem>>) target_semaphore(%arg22 : memref<!tpu.dma_semaphore, #tpu.memory_space<semaphore_mem>>)
    %dma_start3A_85 = arith.constant 0 : i32
    %dma_start3A_86 = arith.constant 0 : i32
    %dma_start3A_87 = tpu.memref_slice %arg2[%dma_start3A_85, %add3A_80, %dma_start3A_86] : memref<4x8192x1024xf32, #tpu.memory_space<hbm>> -> memref<4x4x1024xf32, #tpu.memory_space<hbm>>
    %dma_start3A_88 = arith.constant 0 : i32
    %dma_start3A_89 = arith.constant 0 : i32
    %dma_start3A_90 = tpu.memref_slice %arg2[%dma_start3A_88, %add3A_80, %dma_start3A_89] : memref<4x8192x1024xf32, #tpu.memory_space<hbm>> -> memref<4x4x1024xf32, #tpu.memory_space<hbm>>
    tpu.enqueue_dma source(%dma_start3A_90 : memref<4x4x1024xf32, #tpu.memory_space<hbm>>) target(%arg16 : memref<4x4x1024xf32, #tpu.memory_space<vmem>>) target_semaphore(%arg28 : memref<!tpu.dma_semaphore, #tpu.memory_space<semaphore_mem>>)
    %dma_wait3A_91 = arith.constant 0 : i32
    %dma_wait3A_92 = tpu.memref_slice %arg3[%mul3A_2, %dma_wait3A_91] : memref<8192x1024xf32, #tpu.memory_space<hbm>> -> memref<4x1024xf32, #tpu.memory_space<hbm>>
    %dma_wait3A_93 = arith.constant 0 : i32
    %dma_wait3A_94 = tpu.memref_slice %arg3[%mul3A_2, %dma_wait3A_93] : memref<8192x1024xf32, #tpu.memory_space<hbm>> -> memref<4x1024xf32, #tpu.memory_space<hbm>>
    tpu.wait_dma2 semaphore(%arg18 : memref<!tpu.dma_semaphore, #tpu.memory_space<semaphore_mem>>) src(%dma_wait3A_94 : memref<4x1024xf32, #tpu.memory_space<hbm>>) dst(%arg6 : memref<4x1024xf32, #tpu.memory_space<vmem>>)
    %dma_wait3A_95 = arith.constant 0 : i32
    %dma_wait3A_96 = arith.constant 0 : i32
    %dma_wait3A_97 = tpu.memref_slice %arg2[%dma_wait3A_95, %mul3A_2, %dma_wait3A_96] : memref<4x8192x1024xf32, #tpu.memory_space<hbm>> -> memref<4x4x1024xf32, #tpu.memory_space<hbm>>
    %dma_wait3A_98 = arith.constant 0 : i32
    %dma_wait3A_99 = arith.constant 0 : i32
    %dma_wait3A_100 = tpu.memref_slice %arg2[%dma_wait3A_98, %mul3A_2, %dma_wait3A_99] : memref<4x8192x1024xf32, #tpu.memory_space<hbm>> -> memref<4x4x1024xf32, #tpu.memory_space<hbm>>
    tpu.wait_dma2 semaphore(%arg24 : memref<!tpu.dma_semaphore, #tpu.memory_space<semaphore_mem>>) src(%dma_wait3A_100 : memref<4x4x1024xf32, #tpu.memory_space<hbm>>) dst(%arg12 : memref<4x4x1024xf32, #tpu.memory_space<vmem>>)
    %add3A_101 = arith.constant 4 : i32
    %add3A_102 = arith.addi %mul3A_2, %add3A_101 : i32
    %dma_start3A_103 = arith.constant 0 : i32
    %dma_start3A_104 = arith.constant 0 : i32
    %dma_start3A_105 = tpu.memref_slice %arg4[%dma_start3A_103, %add3A_102, %dma_start3A_104] : memref<4x8192x1024xf32, #tpu.memory_space<hbm>> -> memref<4x4x1024xf32, #tpu.memory_space<hbm>>
    %dma_start3A_106 = arith.constant 0 : i32
    %dma_start3A_107 = arith.constant 0 : i32
    %dma_start3A_108 = tpu.memref_slice %arg4[%dma_start3A_106, %add3A_102, %dma_start3A_107] : memref<4x8192x1024xf32, #tpu.memory_space<hbm>> -> memref<4x4x1024xf32, #tpu.memory_space<hbm>>
    tpu.enqueue_dma source(%arg12 : memref<4x4x1024xf32, #tpu.memory_space<vmem>>) target(%dma_start3A_108 : memref<4x4x1024xf32, #tpu.memory_space<hbm>>) target_semaphore(%arg30 : memref<!tpu.dma_semaphore, #tpu.memory_space<semaphore_mem>>)
    %scan3A = arith.constant 0 : i32
    %scan3A_109 = arith.constant 0 : i32
    %scan3A_110 = arith.constant 9 : i32
    %scan3A_111 = arith.addi %scan3A_109, %scan3A_110 : i32
    %scan3A_112 = arith.constant 1 : i32
    scf.for %scan3A_366 = %scan3A_109 to %scan3A_111 step %scan3A_112  : i32 {
      %mul3A_367 = arith.constant 6 : i32
      %mul3A_368 = arith.muli %mul3A_367, %scan3A_366 : i32
      %add3A_369 = arith.constant 2 : i32
      %add3A_370 = arith.addi %add3A_369, %mul3A_368 : i32
      %add3A_371 = arith.constant 0 : i32
      %add3A_372 = arith.addi %add3A_370, %add3A_371 : i32
      %dma_wait3A_373 = arith.constant 0 : i32
      %dma_wait3A_374 = arith.constant 0 : i32
      %dma_wait3A_375 = tpu.memref_slice %arg4[%dma_wait3A_373, %mul3A_2, %dma_wait3A_374] : memref<4x8192x1024xf32, #tpu.memory_space<hbm>> -> memref<4x4x1024xf32, #tpu.memory_space<hbm>>
      %dma_wait3A_376 = arith.constant 0 : i32
      %dma_wait3A_377 = arith.constant 0 : i32
      %dma_wait3A_378 = tpu.memref_slice %arg4[%dma_wait3A_376, %mul3A_2, %dma_wait3A_377] : memref<4x8192x1024xf32, #tpu.memory_space<hbm>> -> memref<4x4x1024xf32, #tpu.memory_space<hbm>>
      tpu.wait_dma2 semaphore(%arg29 : memref<!tpu.dma_semaphore, #tpu.memory_space<semaphore_mem>>) src(%arg11 : memref<4x4x1024xf32, #tpu.memory_space<vmem>>) dst(%dma_wait3A_378 : memref<4x4x1024xf32, #tpu.memory_space<hbm>>)
      %add3A_379 = arith.constant 6 : i32
      %add3A_380 = arith.addi %add3A_372, %add3A_379 : i32
      %sub3A = arith.constant 2 : i32
      %sub3A_381 = arith.subi %add3A_380, %sub3A : i32
      %mul3A_382 = arith.constant 4 : i32
      %mul3A_383 = arith.muli %sub3A_381, %mul3A_382 : i32
      %add3A_384 = arith.addi %mul3A_2, %mul3A_383 : i32
      %dma_start3A_385 = arith.constant 0 : i32
      %dma_start3A_386 = tpu.memref_slice %arg3[%add3A_384, %dma_start3A_385] : memref<8192x1024xf32, #tpu.memory_space<hbm>> -> memref<4x1024xf32, #tpu.memory_space<hbm>>
      %dma_start3A_387 = arith.constant 0 : i32
      %dma_start3A_388 = tpu.memref_slice %arg3[%add3A_384, %dma_start3A_387] : memref<8192x1024xf32, #tpu.memory_space<hbm>> -> memref<4x1024xf32, #tpu.memory_space<hbm>>
      tpu.enqueue_dma source(%dma_start3A_388 : memref<4x1024xf32, #tpu.memory_space<hbm>>) target(%arg5 : memref<4x1024xf32, #tpu.memory_space<vmem>>) target_semaphore(%arg17 : memref<!tpu.dma_semaphore, #tpu.memory_space<semaphore_mem>>)
      %dma_start3A_389 = arith.constant 0 : i32
      %dma_start3A_390 = arith.constant 0 : i32
      %dma_start3A_391 = tpu.memref_slice %arg2[%dma_start3A_389, %add3A_384, %dma_start3A_390] : memref<4x8192x1024xf32, #tpu.memory_space<hbm>> -> memref<4x4x1024xf32, #tpu.memory_space<hbm>>
      %dma_start3A_392 = arith.constant 0 : i32
      %dma_start3A_393 = arith.constant 0 : i32
      %dma_start3A_394 = tpu.memref_slice %arg2[%dma_start3A_392, %add3A_384, %dma_start3A_393] : memref<4x8192x1024xf32, #tpu.memory_space<hbm>> -> memref<4x4x1024xf32, #tpu.memory_space<hbm>>
      tpu.enqueue_dma source(%dma_start3A_394 : memref<4x4x1024xf32, #tpu.memory_space<hbm>>) target(%arg11 : memref<4x4x1024xf32, #tpu.memory_space<vmem>>) target_semaphore(%arg23 : memref<!tpu.dma_semaphore, #tpu.memory_space<semaphore_mem>>)
      %dma_wait3A_395 = arith.constant 0 : i32
      %dma_wait3A_396 = tpu.memref_slice %arg3[%mul3A_2, %dma_wait3A_395] : memref<8192x1024xf32, #tpu.memory_space<hbm>> -> memref<4x1024xf32, #tpu.memory_space<hbm>>
      %dma_wait3A_397 = arith.constant 0 : i32
      %dma_wait3A_398 = tpu.memref_slice %arg3[%mul3A_2, %dma_wait3A_397] : memref<8192x1024xf32, #tpu.memory_space<hbm>> -> memref<4x1024xf32, #tpu.memory_space<hbm>>
      tpu.wait_dma2 semaphore(%arg19 : memref<!tpu.dma_semaphore, #tpu.memory_space<semaphore_mem>>) src(%dma_wait3A_398 : memref<4x1024xf32, #tpu.memory_space<hbm>>) dst(%arg7 : memref<4x1024xf32, #tpu.memory_space<vmem>>)
      %dma_wait3A_399 = arith.constant 0 : i32
      %dma_wait3A_400 = arith.constant 0 : i32
      %dma_wait3A_401 = tpu.memref_slice %arg2[%dma_wait3A_399, %mul3A_2, %dma_wait3A_400] : memref<4x8192x1024xf32, #tpu.memory_space<hbm>> -> memref<4x4x1024xf32, #tpu.memory_space<hbm>>
      %dma_wait3A_402 = arith.constant 0 : i32
      %dma_wait3A_403 = arith.constant 0 : i32
      %dma_wait3A_404 = tpu.memref_slice %arg2[%dma_wait3A_402, %mul3A_2, %dma_wait3A_403] : memref<4x8192x1024xf32, #tpu.memory_space<hbm>> -> memref<4x4x1024xf32, #tpu.memory_space<hbm>>
      tpu.wait_dma2 semaphore(%arg25 : memref<!tpu.dma_semaphore, #tpu.memory_space<semaphore_mem>>) src(%dma_wait3A_404 : memref<4x4x1024xf32, #tpu.memory_space<hbm>>) dst(%arg13 : memref<4x4x1024xf32, #tpu.memory_space<vmem>>)
      %mul3A_405 = arith.constant 4 : i32
      %mul3A_406 = arith.muli %add3A_372, %mul3A_405 : i32
      %add3A_407 = arith.addi %mul3A_2, %mul3A_406 : i32
      %dma_start3A_408 = arith.constant 0 : i32
      %dma_start3A_409 = arith.constant 0 : i32
      %dma_start3A_410 = tpu.memref_slice %arg4[%dma_start3A_408, %add3A_407, %dma_start3A_409] : memref<4x8192x1024xf32, #tpu.memory_space<hbm>> -> memref<4x4x1024xf32, #tpu.memory_space<hbm>>
      %dma_start3A_411 = arith.constant 0 : i32
      %dma_start3A_412 = arith.constant 0 : i32
      %dma_start3A_413 = tpu.memref_slice %arg4[%dma_start3A_411, %add3A_407, %dma_start3A_412] : memref<4x8192x1024xf32, #tpu.memory_space<hbm>> -> memref<4x4x1024xf32, #tpu.memory_space<hbm>>
      tpu.enqueue_dma source(%arg13 : memref<4x4x1024xf32, #tpu.memory_space<vmem>>) target(%dma_start3A_413 : memref<4x4x1024xf32, #tpu.memory_space<hbm>>) target_semaphore(%arg31 : memref<!tpu.dma_semaphore, #tpu.memory_space<semaphore_mem>>)
      %add3A_414 = arith.constant 1 : i32
      %add3A_415 = arith.addi %add3A_370, %add3A_414 : i32
      %dma_wait3A_416 = arith.constant 0 : i32
      %dma_wait3A_417 = arith.constant 0 : i32
      %dma_wait3A_418 = tpu.memref_slice %arg4[%dma_wait3A_416, %mul3A_2, %dma_wait3A_417] : memref<4x8192x1024xf32, #tpu.memory_space<hbm>> -> memref<4x4x1024xf32, #tpu.memory_space<hbm>>
      %dma_wait3A_419 = arith.constant 0 : i32
      %dma_wait3A_420 = arith.constant 0 : i32
      %dma_wait3A_421 = tpu.memref_slice %arg4[%dma_wait3A_419, %mul3A_2, %dma_wait3A_420] : memref<4x8192x1024xf32, #tpu.memory_space<hbm>> -> memref<4x4x1024xf32, #tpu.memory_space<hbm>>
      tpu.wait_dma2 semaphore(%arg30 : memref<!tpu.dma_semaphore, #tpu.memory_space<semaphore_mem>>) src(%arg12 : memref<4x4x1024xf32, #tpu.memory_space<vmem>>) dst(%dma_wait3A_421 : memref<4x4x1024xf32, #tpu.memory_space<hbm>>)
      %add3A_422 = arith.constant 6 : i32
      %add3A_423 = arith.addi %add3A_415, %add3A_422 : i32
      %sub3A_424 = arith.constant 2 : i32
      %sub3A_425 = arith.subi %add3A_423, %sub3A_424 : i32
      %mul3A_426 = arith.constant 4 : i32
      %mul3A_427 = arith.muli %sub3A_425, %mul3A_426 : i32
      %add3A_428 = arith.addi %mul3A_2, %mul3A_427 : i32
      %dma_start3A_429 = arith.constant 0 : i32
      %dma_start3A_430 = tpu.memref_slice %arg3[%add3A_428, %dma_start3A_429] : memref<8192x1024xf32, #tpu.memory_space<hbm>> -> memref<4x1024xf32, #tpu.memory_space<hbm>>
      %dma_start3A_431 = arith.constant 0 : i32
      %dma_start3A_432 = tpu.memref_slice %arg3[%add3A_428, %dma_start3A_431] : memref<8192x1024xf32, #tpu.memory_space<hbm>> -> memref<4x1024xf32, #tpu.memory_space<hbm>>
      tpu.enqueue_dma source(%dma_start3A_432 : memref<4x1024xf32, #tpu.memory_space<hbm>>) target(%arg6 : memref<4x1024xf32, #tpu.memory_space<vmem>>) target_semaphore(%arg18 : memref<!tpu.dma_semaphore, #tpu.memory_space<semaphore_mem>>)
      %dma_start3A_433 = arith.constant 0 : i32
      %dma_start3A_434 = arith.constant 0 : i32
      %dma_start3A_435 = tpu.memref_slice %arg2[%dma_start3A_433, %add3A_428, %dma_start3A_434] : memref<4x8192x1024xf32, #tpu.memory_space<hbm>> -> memref<4x4x1024xf32, #tpu.memory_space<hbm>>
      %dma_start3A_436 = arith.constant 0 : i32
      %dma_start3A_437 = arith.constant 0 : i32
      %dma_start3A_438 = tpu.memref_slice %arg2[%dma_start3A_436, %add3A_428, %dma_start3A_437] : memref<4x8192x1024xf32, #tpu.memory_space<hbm>> -> memref<4x4x1024xf32, #tpu.memory_space<hbm>>
      tpu.enqueue_dma source(%dma_start3A_438 : memref<4x4x1024xf32, #tpu.memory_space<hbm>>) target(%arg12 : memref<4x4x1024xf32, #tpu.memory_space<vmem>>) target_semaphore(%arg24 : memref<!tpu.dma_semaphore, #tpu.memory_space<semaphore_mem>>)
      %dma_wait3A_439 = arith.constant 0 : i32
      %dma_wait3A_440 = tpu.memref_slice %arg3[%mul3A_2, %dma_wait3A_439] : memref<8192x1024xf32, #tpu.memory_space<hbm>> -> memref<4x1024xf32, #tpu.memory_space<hbm>>
      %dma_wait3A_441 = arith.constant 0 : i32
      %dma_wait3A_442 = tpu.memref_slice %arg3[%mul3A_2, %dma_wait3A_441] : memref<8192x1024xf32, #tpu.memory_space<hbm>> -> memref<4x1024xf32, #tpu.memory_space<hbm>>
      tpu.wait_dma2 semaphore(%arg20 : memref<!tpu.dma_semaphore, #tpu.memory_space<semaphore_mem>>) src(%dma_wait3A_442 : memref<4x1024xf32, #tpu.memory_space<hbm>>) dst(%arg8 : memref<4x1024xf32, #tpu.memory_space<vmem>>)
      %dma_wait3A_443 = arith.constant 0 : i32
      %dma_wait3A_444 = arith.constant 0 : i32
      %dma_wait3A_445 = tpu.memref_slice %arg2[%dma_wait3A_443, %mul3A_2, %dma_wait3A_444] : memref<4x8192x1024xf32, #tpu.memory_space<hbm>> -> memref<4x4x1024xf32, #tpu.memory_space<hbm>>
      %dma_wait3A_446 = arith.constant 0 : i32
      %dma_wait3A_447 = arith.constant 0 : i32
      %dma_wait3A_448 = tpu.memref_slice %arg2[%dma_wait3A_446, %mul3A_2, %dma_wait3A_447] : memref<4x8192x1024xf32, #tpu.memory_space<hbm>> -> memref<4x4x1024xf32, #tpu.memory_space<hbm>>
      tpu.wait_dma2 semaphore(%arg26 : memref<!tpu.dma_semaphore, #tpu.memory_space<semaphore_mem>>) src(%dma_wait3A_448 : memref<4x4x1024xf32, #tpu.memory_space<hbm>>) dst(%arg14 : memref<4x4x1024xf32, #tpu.memory_space<vmem>>)
      %mul3A_449 = arith.constant 4 : i32
      %mul3A_450 = arith.muli %add3A_415, %mul3A_449 : i32
      %add3A_451 = arith.addi %mul3A_2, %mul3A_450 : i32
      %dma_start3A_452 = arith.constant 0 : i32
      %dma_start3A_453 = arith.constant 0 : i32
      %dma_start3A_454 = tpu.memref_slice %arg4[%dma_start3A_452, %add3A_451, %dma_start3A_453] : memref<4x8192x1024xf32, #tpu.memory_space<hbm>> -> memref<4x4x1024xf32, #tpu.memory_space<hbm>>
      %dma_start3A_455 = arith.constant 0 : i32
      %dma_start3A_456 = arith.constant 0 : i32
      %dma_start3A_457 = tpu.memref_slice %arg4[%dma_start3A_455, %add3A_451, %dma_start3A_456] : memref<4x8192x1024xf32, #tpu.memory_space<hbm>> -> memref<4x4x1024xf32, #tpu.memory_space<hbm>>
      tpu.enqueue_dma source(%arg14 : memref<4x4x1024xf32, #tpu.memory_space<vmem>>) target(%dma_start3A_457 : memref<4x4x1024xf32, #tpu.memory_space<hbm>>) target_semaphore(%arg32 : memref<!tpu.dma_semaphore, #tpu.memory_space<semaphore_mem>>)
      %add3A_458 = arith.constant 2 : i32
      %add3A_459 = arith.addi %add3A_370, %add3A_458 : i32
      %dma_wait3A_460 = arith.constant 0 : i32
      %dma_wait3A_461 = arith.constant 0 : i32
      %dma_wait3A_462 = tpu.memref_slice %arg4[%dma_wait3A_460, %mul3A_2, %dma_wait3A_461] : memref<4x8192x1024xf32, #tpu.memory_space<hbm>> -> memref<4x4x1024xf32, #tpu.memory_space<hbm>>
      %dma_wait3A_463 = arith.constant 0 : i32
      %dma_wait3A_464 = arith.constant 0 : i32
      %dma_wait3A_465 = tpu.memref_slice %arg4[%dma_wait3A_463, %mul3A_2, %dma_wait3A_464] : memref<4x8192x1024xf32, #tpu.memory_space<hbm>> -> memref<4x4x1024xf32, #tpu.memory_space<hbm>>
      tpu.wait_dma2 semaphore(%arg31 : memref<!tpu.dma_semaphore, #tpu.memory_space<semaphore_mem>>) src(%arg13 : memref<4x4x1024xf32, #tpu.memory_space<vmem>>) dst(%dma_wait3A_465 : memref<4x4x1024xf32, #tpu.memory_space<hbm>>)
      %add3A_466 = arith.constant 6 : i32
      %add3A_467 = arith.addi %add3A_459, %add3A_466 : i32
      %sub3A_468 = arith.constant 2 : i32
      %sub3A_469 = arith.subi %add3A_467, %sub3A_468 : i32
      %mul3A_470 = arith.constant 4 : i32
      %mul3A_471 = arith.muli %sub3A_469, %mul3A_470 : i32
      %add3A_472 = arith.addi %mul3A_2, %mul3A_471 : i32
      %dma_start3A_473 = arith.constant 0 : i32
      %dma_start3A_474 = tpu.memref_slice %arg3[%add3A_472, %dma_start3A_473] : memref<8192x1024xf32, #tpu.memory_space<hbm>> -> memref<4x1024xf32, #tpu.memory_space<hbm>>
      %dma_start3A_475 = arith.constant 0 : i32
      %dma_start3A_476 = tpu.memref_slice %arg3[%add3A_472, %dma_start3A_475] : memref<8192x1024xf32, #tpu.memory_space<hbm>> -> memref<4x1024xf32, #tpu.memory_space<hbm>>
      tpu.enqueue_dma source(%dma_start3A_476 : memref<4x1024xf32, #tpu.memory_space<hbm>>) target(%arg7 : memref<4x1024xf32, #tpu.memory_space<vmem>>) target_semaphore(%arg19 : memref<!tpu.dma_semaphore, #tpu.memory_space<semaphore_mem>>)
      %dma_start3A_477 = arith.constant 0 : i32
      %dma_start3A_478 = arith.constant 0 : i32
      %dma_start3A_479 = tpu.memref_slice %arg2[%dma_start3A_477, %add3A_472, %dma_start3A_478] : memref<4x8192x1024xf32, #tpu.memory_space<hbm>> -> memref<4x4x1024xf32, #tpu.memory_space<hbm>>
      %dma_start3A_480 = arith.constant 0 : i32
      %dma_start3A_481 = arith.constant 0 : i32
      %dma_start3A_482 = tpu.memref_slice %arg2[%dma_start3A_480, %add3A_472, %dma_start3A_481] : memref<4x8192x1024xf32, #tpu.memory_space<hbm>> -> memref<4x4x1024xf32, #tpu.memory_space<hbm>>
      tpu.enqueue_dma source(%dma_start3A_482 : memref<4x4x1024xf32, #tpu.memory_space<hbm>>) target(%arg13 : memref<4x4x1024xf32, #tpu.memory_space<vmem>>) target_semaphore(%arg25 : memref<!tpu.dma_semaphore, #tpu.memory_space<semaphore_mem>>)
      %dma_wait3A_483 = arith.constant 0 : i32
      %dma_wait3A_484 = tpu.memref_slice %arg3[%mul3A_2, %dma_wait3A_483] : memref<8192x1024xf32, #tpu.memory_space<hbm>> -> memref<4x1024xf32, #tpu.memory_space<hbm>>
      %dma_wait3A_485 = arith.constant 0 : i32
      %dma_wait3A_486 = tpu.memref_slice %arg3[%mul3A_2, %dma_wait3A_485] : memref<8192x1024xf32, #tpu.memory_space<hbm>> -> memref<4x1024xf32, #tpu.memory_space<hbm>>
      tpu.wait_dma2 semaphore(%arg21 : memref<!tpu.dma_semaphore, #tpu.memory_space<semaphore_mem>>) src(%dma_wait3A_486 : memref<4x1024xf32, #tpu.memory_space<hbm>>) dst(%arg9 : memref<4x1024xf32, #tpu.memory_space<vmem>>)
      %dma_wait3A_487 = arith.constant 0 : i32
      %dma_wait3A_488 = arith.constant 0 : i32
      %dma_wait3A_489 = tpu.memref_slice %arg2[%dma_wait3A_487, %mul3A_2, %dma_wait3A_488] : memref<4x8192x1024xf32, #tpu.memory_space<hbm>> -> memref<4x4x1024xf32, #tpu.memory_space<hbm>>
      %dma_wait3A_490 = arith.constant 0 : i32
      %dma_wait3A_491 = arith.constant 0 : i32
      %dma_wait3A_492 = tpu.memref_slice %arg2[%dma_wait3A_490, %mul3A_2, %dma_wait3A_491] : memref<4x8192x1024xf32, #tpu.memory_space<hbm>> -> memref<4x4x1024xf32, #tpu.memory_space<hbm>>
      tpu.wait_dma2 semaphore(%arg27 : memref<!tpu.dma_semaphore, #tpu.memory_space<semaphore_mem>>) src(%dma_wait3A_492 : memref<4x4x1024xf32, #tpu.memory_space<hbm>>) dst(%arg15 : memref<4x4x1024xf32, #tpu.memory_space<vmem>>)
      %mul3A_493 = arith.constant 4 : i32
      %mul3A_494 = arith.muli %add3A_459, %mul3A_493 : i32
      %add3A_495 = arith.addi %mul3A_2, %mul3A_494 : i32
      %dma_start3A_496 = arith.constant 0 : i32
      %dma_start3A_497 = arith.constant 0 : i32
      %dma_start3A_498 = tpu.memref_slice %arg4[%dma_start3A_496, %add3A_495, %dma_start3A_497] : memref<4x8192x1024xf32, #tpu.memory_space<hbm>> -> memref<4x4x1024xf32, #tpu.memory_space<hbm>>
      %dma_start3A_499 = arith.constant 0 : i32
      %dma_start3A_500 = arith.constant 0 : i32
      %dma_start3A_501 = tpu.memref_slice %arg4[%dma_start3A_499, %add3A_495, %dma_start3A_500] : memref<4x8192x1024xf32, #tpu.memory_space<hbm>> -> memref<4x4x1024xf32, #tpu.memory_space<hbm>>
      tpu.enqueue_dma source(%arg15 : memref<4x4x1024xf32, #tpu.memory_space<vmem>>) target(%dma_start3A_501 : memref<4x4x1024xf32, #tpu.memory_space<hbm>>) target_semaphore(%arg33 : memref<!tpu.dma_semaphore, #tpu.memory_space<semaphore_mem>>)
      %add3A_502 = arith.constant 3 : i32
      %add3A_503 = arith.addi %add3A_370, %add3A_502 : i32
      %dma_wait3A_504 = arith.constant 0 : i32
      %dma_wait3A_505 = arith.constant 0 : i32
      %dma_wait3A_506 = tpu.memref_slice %arg4[%dma_wait3A_504, %mul3A_2, %dma_wait3A_505] : memref<4x8192x1024xf32, #tpu.memory_space<hbm>> -> memref<4x4x1024xf32, #tpu.memory_space<hbm>>
      %dma_wait3A_507 = arith.constant 0 : i32
      %dma_wait3A_508 = arith.constant 0 : i32
      %dma_wait3A_509 = tpu.memref_slice %arg4[%dma_wait3A_507, %mul3A_2, %dma_wait3A_508] : memref<4x8192x1024xf32, #tpu.memory_space<hbm>> -> memref<4x4x1024xf32, #tpu.memory_space<hbm>>
      tpu.wait_dma2 semaphore(%arg32 : memref<!tpu.dma_semaphore, #tpu.memory_space<semaphore_mem>>) src(%arg14 : memref<4x4x1024xf32, #tpu.memory_space<vmem>>) dst(%dma_wait3A_509 : memref<4x4x1024xf32, #tpu.memory_space<hbm>>)
      %add3A_510 = arith.constant 6 : i32
      %add3A_511 = arith.addi %add3A_503, %add3A_510 : i32
      %sub3A_512 = arith.constant 2 : i32
      %sub3A_513 = arith.subi %add3A_511, %sub3A_512 : i32
      %mul3A_514 = arith.constant 4 : i32
      %mul3A_515 = arith.muli %sub3A_513, %mul3A_514 : i32
      %add3A_516 = arith.addi %mul3A_2, %mul3A_515 : i32
      %dma_start3A_517 = arith.constant 0 : i32
      %dma_start3A_518 = tpu.memref_slice %arg3[%add3A_516, %dma_start3A_517] : memref<8192x1024xf32, #tpu.memory_space<hbm>> -> memref<4x1024xf32, #tpu.memory_space<hbm>>
      %dma_start3A_519 = arith.constant 0 : i32
      %dma_start3A_520 = tpu.memref_slice %arg3[%add3A_516, %dma_start3A_519] : memref<8192x1024xf32, #tpu.memory_space<hbm>> -> memref<4x1024xf32, #tpu.memory_space<hbm>>
      tpu.enqueue_dma source(%dma_start3A_520 : memref<4x1024xf32, #tpu.memory_space<hbm>>) target(%arg8 : memref<4x1024xf32, #tpu.memory_space<vmem>>) target_semaphore(%arg20 : memref<!tpu.dma_semaphore, #tpu.memory_space<semaphore_mem>>)
      %dma_start3A_521 = arith.constant 0 : i32
      %dma_start3A_522 = arith.constant 0 : i32
      %dma_start3A_523 = tpu.memref_slice %arg2[%dma_start3A_521, %add3A_516, %dma_start3A_522] : memref<4x8192x1024xf32, #tpu.memory_space<hbm>> -> memref<4x4x1024xf32, #tpu.memory_space<hbm>>
      %dma_start3A_524 = arith.constant 0 : i32
      %dma_start3A_525 = arith.constant 0 : i32
      %dma_start3A_526 = tpu.memref_slice %arg2[%dma_start3A_524, %add3A_516, %dma_start3A_525] : memref<4x8192x1024xf32, #tpu.memory_space<hbm>> -> memref<4x4x1024xf32, #tpu.memory_space<hbm>>
      tpu.enqueue_dma source(%dma_start3A_526 : memref<4x4x1024xf32, #tpu.memory_space<hbm>>) target(%arg14 : memref<4x4x1024xf32, #tpu.memory_space<vmem>>) target_semaphore(%arg26 : memref<!tpu.dma_semaphore, #tpu.memory_space<semaphore_mem>>)
      %dma_wait3A_527 = arith.constant 0 : i32
      %dma_wait3A_528 = tpu.memref_slice %arg3[%mul3A_2, %dma_wait3A_527] : memref<8192x1024xf32, #tpu.memory_space<hbm>> -> memref<4x1024xf32, #tpu.memory_space<hbm>>
      %dma_wait3A_529 = arith.constant 0 : i32
      %dma_wait3A_530 = tpu.memref_slice %arg3[%mul3A_2, %dma_wait3A_529] : memref<8192x1024xf32, #tpu.memory_space<hbm>> -> memref<4x1024xf32, #tpu.memory_space<hbm>>
      tpu.wait_dma2 semaphore(%arg22 : memref<!tpu.dma_semaphore, #tpu.memory_space<semaphore_mem>>) src(%dma_wait3A_530 : memref<4x1024xf32, #tpu.memory_space<hbm>>) dst(%arg10 : memref<4x1024xf32, #tpu.memory_space<vmem>>)
      %dma_wait3A_531 = arith.constant 0 : i32
      %dma_wait3A_532 = arith.constant 0 : i32
      %dma_wait3A_533 = tpu.memref_slice %arg2[%dma_wait3A_531, %mul3A_2, %dma_wait3A_532] : memref<4x8192x1024xf32, #tpu.memory_space<hbm>> -> memref<4x4x1024xf32, #tpu.memory_space<hbm>>
      %dma_wait3A_534 = arith.constant 0 : i32
      %dma_wait3A_535 = arith.constant 0 : i32
      %dma_wait3A_536 = tpu.memref_slice %arg2[%dma_wait3A_534, %mul3A_2, %dma_wait3A_535] : memref<4x8192x1024xf32, #tpu.memory_space<hbm>> -> memref<4x4x1024xf32, #tpu.memory_space<hbm>>
      tpu.wait_dma2 semaphore(%arg28 : memref<!tpu.dma_semaphore, #tpu.memory_space<semaphore_mem>>) src(%dma_wait3A_536 : memref<4x4x1024xf32, #tpu.memory_space<hbm>>) dst(%arg16 : memref<4x4x1024xf32, #tpu.memory_space<vmem>>)
      %mul3A_537 = arith.constant 4 : i32
      %mul3A_538 = arith.muli %add3A_503, %mul3A_537 : i32
      %add3A_539 = arith.addi %mul3A_2, %mul3A_538 : i32
      %dma_start3A_540 = arith.constant 0 : i32
      %dma_start3A_541 = arith.constant 0 : i32
      %dma_start3A_542 = tpu.memref_slice %arg4[%dma_start3A_540, %add3A_539, %dma_start3A_541] : memref<4x8192x1024xf32, #tpu.memory_space<hbm>> -> memref<4x4x1024xf32, #tpu.memory_space<hbm>>
      %dma_start3A_543 = arith.constant 0 : i32
      %dma_start3A_544 = arith.constant 0 : i32
      %dma_start3A_545 = tpu.memref_slice %arg4[%dma_start3A_543, %add3A_539, %dma_start3A_544] : memref<4x8192x1024xf32, #tpu.memory_space<hbm>> -> memref<4x4x1024xf32, #tpu.memory_space<hbm>>
      tpu.enqueue_dma source(%arg16 : memref<4x4x1024xf32, #tpu.memory_space<vmem>>) target(%dma_start3A_545 : memref<4x4x1024xf32, #tpu.memory_space<hbm>>) target_semaphore(%arg34 : memref<!tpu.dma_semaphore, #tpu.memory_space<semaphore_mem>>)
      %add3A_546 = arith.constant 4 : i32
      %add3A_547 = arith.addi %add3A_370, %add3A_546 : i32
      %dma_wait3A_548 = arith.constant 0 : i32
      %dma_wait3A_549 = arith.constant 0 : i32
      %dma_wait3A_550 = tpu.memref_slice %arg4[%dma_wait3A_548, %mul3A_2, %dma_wait3A_549] : memref<4x8192x1024xf32, #tpu.memory_space<hbm>> -> memref<4x4x1024xf32, #tpu.memory_space<hbm>>
      %dma_wait3A_551 = arith.constant 0 : i32
      %dma_wait3A_552 = arith.constant 0 : i32
      %dma_wait3A_553 = tpu.memref_slice %arg4[%dma_wait3A_551, %mul3A_2, %dma_wait3A_552] : memref<4x8192x1024xf32, #tpu.memory_space<hbm>> -> memref<4x4x1024xf32, #tpu.memory_space<hbm>>
      tpu.wait_dma2 semaphore(%arg33 : memref<!tpu.dma_semaphore, #tpu.memory_space<semaphore_mem>>) src(%arg15 : memref<4x4x1024xf32, #tpu.memory_space<vmem>>) dst(%dma_wait3A_553 : memref<4x4x1024xf32, #tpu.memory_space<hbm>>)
      %add3A_554 = arith.constant 6 : i32
      %add3A_555 = arith.addi %add3A_547, %add3A_554 : i32
      %sub3A_556 = arith.constant 2 : i32
      %sub3A_557 = arith.subi %add3A_555, %sub3A_556 : i32
      %mul3A_558 = arith.constant 4 : i32
      %mul3A_559 = arith.muli %sub3A_557, %mul3A_558 : i32
      %add3A_560 = arith.addi %mul3A_2, %mul3A_559 : i32
      %dma_start3A_561 = arith.constant 0 : i32
      %dma_start3A_562 = tpu.memref_slice %arg3[%add3A_560, %dma_start3A_561] : memref<8192x1024xf32, #tpu.memory_space<hbm>> -> memref<4x1024xf32, #tpu.memory_space<hbm>>
      %dma_start3A_563 = arith.constant 0 : i32
      %dma_start3A_564 = tpu.memref_slice %arg3[%add3A_560, %dma_start3A_563] : memref<8192x1024xf32, #tpu.memory_space<hbm>> -> memref<4x1024xf32, #tpu.memory_space<hbm>>
      tpu.enqueue_dma source(%dma_start3A_564 : memref<4x1024xf32, #tpu.memory_space<hbm>>) target(%arg9 : memref<4x1024xf32, #tpu.memory_space<vmem>>) target_semaphore(%arg21 : memref<!tpu.dma_semaphore, #tpu.memory_space<semaphore_mem>>)
      %dma_start3A_565 = arith.constant 0 : i32
      %dma_start3A_566 = arith.constant 0 : i32
      %dma_start3A_567 = tpu.memref_slice %arg2[%dma_start3A_565, %add3A_560, %dma_start3A_566] : memref<4x8192x1024xf32, #tpu.memory_space<hbm>> -> memref<4x4x1024xf32, #tpu.memory_space<hbm>>
      %dma_start3A_568 = arith.constant 0 : i32
      %dma_start3A_569 = arith.constant 0 : i32
      %dma_start3A_570 = tpu.memref_slice %arg2[%dma_start3A_568, %add3A_560, %dma_start3A_569] : memref<4x8192x1024xf32, #tpu.memory_space<hbm>> -> memref<4x4x1024xf32, #tpu.memory_space<hbm>>
      tpu.enqueue_dma source(%dma_start3A_570 : memref<4x4x1024xf32, #tpu.memory_space<hbm>>) target(%arg15 : memref<4x4x1024xf32, #tpu.memory_space<vmem>>) target_semaphore(%arg27 : memref<!tpu.dma_semaphore, #tpu.memory_space<semaphore_mem>>)
      %dma_wait3A_571 = arith.constant 0 : i32
      %dma_wait3A_572 = tpu.memref_slice %arg3[%mul3A_2, %dma_wait3A_571] : memref<8192x1024xf32, #tpu.memory_space<hbm>> -> memref<4x1024xf32, #tpu.memory_space<hbm>>
      %dma_wait3A_573 = arith.constant 0 : i32
      %dma_wait3A_574 = tpu.memref_slice %arg3[%mul3A_2, %dma_wait3A_573] : memref<8192x1024xf32, #tpu.memory_space<hbm>> -> memref<4x1024xf32, #tpu.memory_space<hbm>>
      tpu.wait_dma2 semaphore(%arg17 : memref<!tpu.dma_semaphore, #tpu.memory_space<semaphore_mem>>) src(%dma_wait3A_574 : memref<4x1024xf32, #tpu.memory_space<hbm>>) dst(%arg5 : memref<4x1024xf32, #tpu.memory_space<vmem>>)
      %dma_wait3A_575 = arith.constant 0 : i32
      %dma_wait3A_576 = arith.constant 0 : i32
      %dma_wait3A_577 = tpu.memref_slice %arg2[%dma_wait3A_575, %mul3A_2, %dma_wait3A_576] : memref<4x8192x1024xf32, #tpu.memory_space<hbm>> -> memref<4x4x1024xf32, #tpu.memory_space<hbm>>
      %dma_wait3A_578 = arith.constant 0 : i32
      %dma_wait3A_579 = arith.constant 0 : i32
      %dma_wait3A_580 = tpu.memref_slice %arg2[%dma_wait3A_578, %mul3A_2, %dma_wait3A_579] : memref<4x8192x1024xf32, #tpu.memory_space<hbm>> -> memref<4x4x1024xf32, #tpu.memory_space<hbm>>
      tpu.wait_dma2 semaphore(%arg23 : memref<!tpu.dma_semaphore, #tpu.memory_space<semaphore_mem>>) src(%dma_wait3A_580 : memref<4x4x1024xf32, #tpu.memory_space<hbm>>) dst(%arg11 : memref<4x4x1024xf32, #tpu.memory_space<vmem>>)
      %mul3A_581 = arith.constant 4 : i32
      %mul3A_582 = arith.muli %add3A_547, %mul3A_581 : i32
      %add3A_583 = arith.addi %mul3A_2, %mul3A_582 : i32
      %dma_start3A_584 = arith.constant 0 : i32
      %dma_start3A_585 = arith.constant 0 : i32
      %dma_start3A_586 = tpu.memref_slice %arg4[%dma_start3A_584, %add3A_583, %dma_start3A_585] : memref<4x8192x1024xf32, #tpu.memory_space<hbm>> -> memref<4x4x1024xf32, #tpu.memory_space<hbm>>
      %dma_start3A_587 = arith.constant 0 : i32
      %dma_start3A_588 = arith.constant 0 : i32
      %dma_start3A_589 = tpu.memref_slice %arg4[%dma_start3A_587, %add3A_583, %dma_start3A_588] : memref<4x8192x1024xf32, #tpu.memory_space<hbm>> -> memref<4x4x1024xf32, #tpu.memory_space<hbm>>
      tpu.enqueue_dma source(%arg11 : memref<4x4x1024xf32, #tpu.memory_space<vmem>>) target(%dma_start3A_589 : memref<4x4x1024xf32, #tpu.memory_space<hbm>>) target_semaphore(%arg29 : memref<!tpu.dma_semaphore, #tpu.memory_space<semaphore_mem>>)
      %add3A_590 = arith.constant 5 : i32
      %add3A_591 = arith.addi %add3A_370, %add3A_590 : i32
      %dma_wait3A_592 = arith.constant 0 : i32
      %dma_wait3A_593 = arith.constant 0 : i32
      %dma_wait3A_594 = tpu.memref_slice %arg4[%dma_wait3A_592, %mul3A_2, %dma_wait3A_593] : memref<4x8192x1024xf32, #tpu.memory_space<hbm>> -> memref<4x4x1024xf32, #tpu.memory_space<hbm>>
      %dma_wait3A_595 = arith.constant 0 : i32
      %dma_wait3A_596 = arith.constant 0 : i32
      %dma_wait3A_597 = tpu.memref_slice %arg4[%dma_wait3A_595, %mul3A_2, %dma_wait3A_596] : memref<4x8192x1024xf32, #tpu.memory_space<hbm>> -> memref<4x4x1024xf32, #tpu.memory_space<hbm>>
      tpu.wait_dma2 semaphore(%arg34 : memref<!tpu.dma_semaphore, #tpu.memory_space<semaphore_mem>>) src(%arg16 : memref<4x4x1024xf32, #tpu.memory_space<vmem>>) dst(%dma_wait3A_597 : memref<4x4x1024xf32, #tpu.memory_space<hbm>>)
      %add3A_598 = arith.constant 6 : i32
      %add3A_599 = arith.addi %add3A_591, %add3A_598 : i32
      %sub3A_600 = arith.constant 2 : i32
      %sub3A_601 = arith.subi %add3A_599, %sub3A_600 : i32
      %mul3A_602 = arith.constant 4 : i32
      %mul3A_603 = arith.muli %sub3A_601, %mul3A_602 : i32
      %add3A_604 = arith.addi %mul3A_2, %mul3A_603 : i32
      %dma_start3A_605 = arith.constant 0 : i32
      %dma_start3A_606 = tpu.memref_slice %arg3[%add3A_604, %dma_start3A_605] : memref<8192x1024xf32, #tpu.memory_space<hbm>> -> memref<4x1024xf32, #tpu.memory_space<hbm>>
      %dma_start3A_607 = arith.constant 0 : i32
      %dma_start3A_608 = tpu.memref_slice %arg3[%add3A_604, %dma_start3A_607] : memref<8192x1024xf32, #tpu.memory_space<hbm>> -> memref<4x1024xf32, #tpu.memory_space<hbm>>
      tpu.enqueue_dma source(%dma_start3A_608 : memref<4x1024xf32, #tpu.memory_space<hbm>>) target(%arg10 : memref<4x1024xf32, #tpu.memory_space<vmem>>) target_semaphore(%arg22 : memref<!tpu.dma_semaphore, #tpu.memory_space<semaphore_mem>>)
      %dma_start3A_609 = arith.constant 0 : i32
      %dma_start3A_610 = arith.constant 0 : i32
      %dma_start3A_611 = tpu.memref_slice %arg2[%dma_start3A_609, %add3A_604, %dma_start3A_610] : memref<4x8192x1024xf32, #tpu.memory_space<hbm>> -> memref<4x4x1024xf32, #tpu.memory_space<hbm>>
      %dma_start3A_612 = arith.constant 0 : i32
      %dma_start3A_613 = arith.constant 0 : i32
      %dma_start3A_614 = tpu.memref_slice %arg2[%dma_start3A_612, %add3A_604, %dma_start3A_613] : memref<4x8192x1024xf32, #tpu.memory_space<hbm>> -> memref<4x4x1024xf32, #tpu.memory_space<hbm>>
      tpu.enqueue_dma source(%dma_start3A_614 : memref<4x4x1024xf32, #tpu.memory_space<hbm>>) target(%arg16 : memref<4x4x1024xf32, #tpu.memory_space<vmem>>) target_semaphore(%arg28 : memref<!tpu.dma_semaphore, #tpu.memory_space<semaphore_mem>>)
      %dma_wait3A_615 = arith.constant 0 : i32
      %dma_wait3A_616 = tpu.memref_slice %arg3[%mul3A_2, %dma_wait3A_615] : memref<8192x1024xf32, #tpu.memory_space<hbm>> -> memref<4x1024xf32, #tpu.memory_space<hbm>>
      %dma_wait3A_617 = arith.constant 0 : i32
      %dma_wait3A_618 = tpu.memref_slice %arg3[%mul3A_2, %dma_wait3A_617] : memref<8192x1024xf32, #tpu.memory_space<hbm>> -> memref<4x1024xf32, #tpu.memory_space<hbm>>
      tpu.wait_dma2 semaphore(%arg18 : memref<!tpu.dma_semaphore, #tpu.memory_space<semaphore_mem>>) src(%dma_wait3A_618 : memref<4x1024xf32, #tpu.memory_space<hbm>>) dst(%arg6 : memref<4x1024xf32, #tpu.memory_space<vmem>>)
      %dma_wait3A_619 = arith.constant 0 : i32
      %dma_wait3A_620 = arith.constant 0 : i32
      %dma_wait3A_621 = tpu.memref_slice %arg2[%dma_wait3A_619, %mul3A_2, %dma_wait3A_620] : memref<4x8192x1024xf32, #tpu.memory_space<hbm>> -> memref<4x4x1024xf32, #tpu.memory_space<hbm>>
      %dma_wait3A_622 = arith.constant 0 : i32
      %dma_wait3A_623 = arith.constant 0 : i32
      %dma_wait3A_624 = tpu.memref_slice %arg2[%dma_wait3A_622, %mul3A_2, %dma_wait3A_623] : memref<4x8192x1024xf32, #tpu.memory_space<hbm>> -> memref<4x4x1024xf32, #tpu.memory_space<hbm>>
      tpu.wait_dma2 semaphore(%arg24 : memref<!tpu.dma_semaphore, #tpu.memory_space<semaphore_mem>>) src(%dma_wait3A_624 : memref<4x4x1024xf32, #tpu.memory_space<hbm>>) dst(%arg12 : memref<4x4x1024xf32, #tpu.memory_space<vmem>>)
      %mul3A_625 = arith.constant 4 : i32
      %mul3A_626 = arith.muli %add3A_591, %mul3A_625 : i32
      %add3A_627 = arith.addi %mul3A_2, %mul3A_626 : i32
      %dma_start3A_628 = arith.constant 0 : i32
      %dma_start3A_629 = arith.constant 0 : i32
      %dma_start3A_630 = tpu.memref_slice %arg4[%dma_start3A_628, %add3A_627, %dma_start3A_629] : memref<4x8192x1024xf32, #tpu.memory_space<hbm>> -> memref<4x4x1024xf32, #tpu.memory_space<hbm>>
      %dma_start3A_631 = arith.constant 0 : i32
      %dma_start3A_632 = arith.constant 0 : i32
      %dma_start3A_633 = tpu.memref_slice %arg4[%dma_start3A_631, %add3A_627, %dma_start3A_632] : memref<4x8192x1024xf32, #tpu.memory_space<hbm>> -> memref<4x4x1024xf32, #tpu.memory_space<hbm>>
      tpu.enqueue_dma source(%arg12 : memref<4x4x1024xf32, #tpu.memory_space<vmem>>) target(%dma_start3A_633 : memref<4x4x1024xf32, #tpu.memory_space<hbm>>) target_semaphore(%arg30 : memref<!tpu.dma_semaphore, #tpu.memory_space<semaphore_mem>>)
    }
    %scan3A_113 = arith.constant 9 : i32
    %dma_wait3A_114 = arith.constant 0 : i32
    %dma_wait3A_115 = arith.constant 0 : i32
    %dma_wait3A_116 = tpu.memref_slice %arg4[%dma_wait3A_114, %mul3A_2, %dma_wait3A_115] : memref<4x8192x1024xf32, #tpu.memory_space<hbm>> -> memref<4x4x1024xf32, #tpu.memory_space<hbm>>
    %dma_wait3A_117 = arith.constant 0 : i32
    %dma_wait3A_118 = arith.constant 0 : i32
    %dma_wait3A_119 = tpu.memref_slice %arg4[%dma_wait3A_117, %mul3A_2, %dma_wait3A_118] : memref<4x8192x1024xf32, #tpu.memory_space<hbm>> -> memref<4x4x1024xf32, #tpu.memory_space<hbm>>
    tpu.wait_dma2 semaphore(%arg29 : memref<!tpu.dma_semaphore, #tpu.memory_space<semaphore_mem>>) src(%arg11 : memref<4x4x1024xf32, #tpu.memory_space<vmem>>) dst(%dma_wait3A_119 : memref<4x4x1024xf32, #tpu.memory_space<hbm>>)
    %add3A_120 = arith.constant 240 : i32
    %add3A_121 = arith.addi %mul3A_2, %add3A_120 : i32
    %dma_start3A_122 = arith.constant 0 : i32
    %dma_start3A_123 = tpu.memref_slice %arg3[%add3A_121, %dma_start3A_122] : memref<8192x1024xf32, #tpu.memory_space<hbm>> -> memref<4x1024xf32, #tpu.memory_space<hbm>>
    %dma_start3A_124 = arith.constant 0 : i32
    %dma_start3A_125 = tpu.memref_slice %arg3[%add3A_121, %dma_start3A_124] : memref<8192x1024xf32, #tpu.memory_space<hbm>> -> memref<4x1024xf32, #tpu.memory_space<hbm>>
    tpu.enqueue_dma source(%dma_start3A_125 : memref<4x1024xf32, #tpu.memory_space<hbm>>) target(%arg5 : memref<4x1024xf32, #tpu.memory_space<vmem>>) target_semaphore(%arg17 : memref<!tpu.dma_semaphore, #tpu.memory_space<semaphore_mem>>)
    %dma_start3A_126 = arith.constant 0 : i32
    %dma_start3A_127 = arith.constant 0 : i32
    %dma_start3A_128 = tpu.memref_slice %arg2[%dma_start3A_126, %add3A_121, %dma_start3A_127] : memref<4x8192x1024xf32, #tpu.memory_space<hbm>> -> memref<4x4x1024xf32, #tpu.memory_space<hbm>>
    %dma_start3A_129 = arith.constant 0 : i32
    %dma_start3A_130 = arith.constant 0 : i32
    %dma_start3A_131 = tpu.memref_slice %arg2[%dma_start3A_129, %add3A_121, %dma_start3A_130] : memref<4x8192x1024xf32, #tpu.memory_space<hbm>> -> memref<4x4x1024xf32, #tpu.memory_space<hbm>>
    tpu.enqueue_dma source(%dma_start3A_131 : memref<4x4x1024xf32, #tpu.memory_space<hbm>>) target(%arg11 : memref<4x4x1024xf32, #tpu.memory_space<vmem>>) target_semaphore(%arg23 : memref<!tpu.dma_semaphore, #tpu.memory_space<semaphore_mem>>)
    %dma_wait3A_132 = arith.constant 0 : i32
    %dma_wait3A_133 = tpu.memref_slice %arg3[%mul3A_2, %dma_wait3A_132] : memref<8192x1024xf32, #tpu.memory_space<hbm>> -> memref<4x1024xf32, #tpu.memory_space<hbm>>
    %dma_wait3A_134 = arith.constant 0 : i32
    %dma_wait3A_135 = tpu.memref_slice %arg3[%mul3A_2, %dma_wait3A_134] : memref<8192x1024xf32, #tpu.memory_space<hbm>> -> memref<4x1024xf32, #tpu.memory_space<hbm>>
    tpu.wait_dma2 semaphore(%arg19 : memref<!tpu.dma_semaphore, #tpu.memory_space<semaphore_mem>>) src(%dma_wait3A_135 : memref<4x1024xf32, #tpu.memory_space<hbm>>) dst(%arg7 : memref<4x1024xf32, #tpu.memory_space<vmem>>)
    %dma_wait3A_136 = arith.constant 0 : i32
    %dma_wait3A_137 = arith.constant 0 : i32
    %dma_wait3A_138 = tpu.memref_slice %arg2[%dma_wait3A_136, %mul3A_2, %dma_wait3A_137] : memref<4x8192x1024xf32, #tpu.memory_space<hbm>> -> memref<4x4x1024xf32, #tpu.memory_space<hbm>>
    %dma_wait3A_139 = arith.constant 0 : i32
    %dma_wait3A_140 = arith.constant 0 : i32
    %dma_wait3A_141 = tpu.memref_slice %arg2[%dma_wait3A_139, %mul3A_2, %dma_wait3A_140] : memref<4x8192x1024xf32, #tpu.memory_space<hbm>> -> memref<4x4x1024xf32, #tpu.memory_space<hbm>>
    tpu.wait_dma2 semaphore(%arg25 : memref<!tpu.dma_semaphore, #tpu.memory_space<semaphore_mem>>) src(%dma_wait3A_141 : memref<4x4x1024xf32, #tpu.memory_space<hbm>>) dst(%arg13 : memref<4x4x1024xf32, #tpu.memory_space<vmem>>)
    %add3A_142 = arith.constant 224 : i32
    %add3A_143 = arith.addi %mul3A_2, %add3A_142 : i32
    %dma_start3A_144 = arith.constant 0 : i32
    %dma_start3A_145 = arith.constant 0 : i32
    %dma_start3A_146 = tpu.memref_slice %arg4[%dma_start3A_144, %add3A_143, %dma_start3A_145] : memref<4x8192x1024xf32, #tpu.memory_space<hbm>> -> memref<4x4x1024xf32, #tpu.memory_space<hbm>>
    %dma_start3A_147 = arith.constant 0 : i32
    %dma_start3A_148 = arith.constant 0 : i32
    %dma_start3A_149 = tpu.memref_slice %arg4[%dma_start3A_147, %add3A_143, %dma_start3A_148] : memref<4x8192x1024xf32, #tpu.memory_space<hbm>> -> memref<4x4x1024xf32, #tpu.memory_space<hbm>>
    tpu.enqueue_dma source(%arg13 : memref<4x4x1024xf32, #tpu.memory_space<vmem>>) target(%dma_start3A_149 : memref<4x4x1024xf32, #tpu.memory_space<hbm>>) target_semaphore(%arg31 : memref<!tpu.dma_semaphore, #tpu.memory_space<semaphore_mem>>)
    %dma_wait3A_150 = arith.constant 0 : i32
    %dma_wait3A_151 = arith.constant 0 : i32
    %dma_wait3A_152 = tpu.memref_slice %arg4[%dma_wait3A_150, %mul3A_2, %dma_wait3A_151] : memref<4x8192x1024xf32, #tpu.memory_space<hbm>> -> memref<4x4x1024xf32, #tpu.memory_space<hbm>>
    %dma_wait3A_153 = arith.constant 0 : i32
    %dma_wait3A_154 = arith.constant 0 : i32
    %dma_wait3A_155 = tpu.memref_slice %arg4[%dma_wait3A_153, %mul3A_2, %dma_wait3A_154] : memref<4x8192x1024xf32, #tpu.memory_space<hbm>> -> memref<4x4x1024xf32, #tpu.memory_space<hbm>>
    tpu.wait_dma2 semaphore(%arg30 : memref<!tpu.dma_semaphore, #tpu.memory_space<semaphore_mem>>) src(%arg12 : memref<4x4x1024xf32, #tpu.memory_space<vmem>>) dst(%dma_wait3A_155 : memref<4x4x1024xf32, #tpu.memory_space<hbm>>)
    %add3A_156 = arith.constant 244 : i32
    %add3A_157 = arith.addi %mul3A_2, %add3A_156 : i32
    %dma_start3A_158 = arith.constant 0 : i32
    %dma_start3A_159 = tpu.memref_slice %arg3[%add3A_157, %dma_start3A_158] : memref<8192x1024xf32, #tpu.memory_space<hbm>> -> memref<4x1024xf32, #tpu.memory_space<hbm>>
    %dma_start3A_160 = arith.constant 0 : i32
    %dma_start3A_161 = tpu.memref_slice %arg3[%add3A_157, %dma_start3A_160] : memref<8192x1024xf32, #tpu.memory_space<hbm>> -> memref<4x1024xf32, #tpu.memory_space<hbm>>
    tpu.enqueue_dma source(%dma_start3A_161 : memref<4x1024xf32, #tpu.memory_space<hbm>>) target(%arg6 : memref<4x1024xf32, #tpu.memory_space<vmem>>) target_semaphore(%arg18 : memref<!tpu.dma_semaphore, #tpu.memory_space<semaphore_mem>>)
    %dma_start3A_162 = arith.constant 0 : i32
    %dma_start3A_163 = arith.constant 0 : i32
    %dma_start3A_164 = tpu.memref_slice %arg2[%dma_start3A_162, %add3A_157, %dma_start3A_163] : memref<4x8192x1024xf32, #tpu.memory_space<hbm>> -> memref<4x4x1024xf32, #tpu.memory_space<hbm>>
    %dma_start3A_165 = arith.constant 0 : i32
    %dma_start3A_166 = arith.constant 0 : i32
    %dma_start3A_167 = tpu.memref_slice %arg2[%dma_start3A_165, %add3A_157, %dma_start3A_166] : memref<4x8192x1024xf32, #tpu.memory_space<hbm>> -> memref<4x4x1024xf32, #tpu.memory_space<hbm>>
    tpu.enqueue_dma source(%dma_start3A_167 : memref<4x4x1024xf32, #tpu.memory_space<hbm>>) target(%arg12 : memref<4x4x1024xf32, #tpu.memory_space<vmem>>) target_semaphore(%arg24 : memref<!tpu.dma_semaphore, #tpu.memory_space<semaphore_mem>>)
    %dma_wait3A_168 = arith.constant 0 : i32
    %dma_wait3A_169 = tpu.memref_slice %arg3[%mul3A_2, %dma_wait3A_168] : memref<8192x1024xf32, #tpu.memory_space<hbm>> -> memref<4x1024xf32, #tpu.memory_space<hbm>>
    %dma_wait3A_170 = arith.constant 0 : i32
    %dma_wait3A_171 = tpu.memref_slice %arg3[%mul3A_2, %dma_wait3A_170] : memref<8192x1024xf32, #tpu.memory_space<hbm>> -> memref<4x1024xf32, #tpu.memory_space<hbm>>
    tpu.wait_dma2 semaphore(%arg20 : memref<!tpu.dma_semaphore, #tpu.memory_space<semaphore_mem>>) src(%dma_wait3A_171 : memref<4x1024xf32, #tpu.memory_space<hbm>>) dst(%arg8 : memref<4x1024xf32, #tpu.memory_space<vmem>>)
    %dma_wait3A_172 = arith.constant 0 : i32
    %dma_wait3A_173 = arith.constant 0 : i32
    %dma_wait3A_174 = tpu.memref_slice %arg2[%dma_wait3A_172, %mul3A_2, %dma_wait3A_173] : memref<4x8192x1024xf32, #tpu.memory_space<hbm>> -> memref<4x4x1024xf32, #tpu.memory_space<hbm>>
    %dma_wait3A_175 = arith.constant 0 : i32
    %dma_wait3A_176 = arith.constant 0 : i32
    %dma_wait3A_177 = tpu.memref_slice %arg2[%dma_wait3A_175, %mul3A_2, %dma_wait3A_176] : memref<4x8192x1024xf32, #tpu.memory_space<hbm>> -> memref<4x4x1024xf32, #tpu.memory_space<hbm>>
    tpu.wait_dma2 semaphore(%arg26 : memref<!tpu.dma_semaphore, #tpu.memory_space<semaphore_mem>>) src(%dma_wait3A_177 : memref<4x4x1024xf32, #tpu.memory_space<hbm>>) dst(%arg14 : memref<4x4x1024xf32, #tpu.memory_space<vmem>>)
    %add3A_178 = arith.constant 228 : i32
    %add3A_179 = arith.addi %mul3A_2, %add3A_178 : i32
    %dma_start3A_180 = arith.constant 0 : i32
    %dma_start3A_181 = arith.constant 0 : i32
    %dma_start3A_182 = tpu.memref_slice %arg4[%dma_start3A_180, %add3A_179, %dma_start3A_181] : memref<4x8192x1024xf32, #tpu.memory_space<hbm>> -> memref<4x4x1024xf32, #tpu.memory_space<hbm>>
    %dma_start3A_183 = arith.constant 0 : i32
    %dma_start3A_184 = arith.constant 0 : i32
    %dma_start3A_185 = tpu.memref_slice %arg4[%dma_start3A_183, %add3A_179, %dma_start3A_184] : memref<4x8192x1024xf32, #tpu.memory_space<hbm>> -> memref<4x4x1024xf32, #tpu.memory_space<hbm>>
    tpu.enqueue_dma source(%arg14 : memref<4x4x1024xf32, #tpu.memory_space<vmem>>) target(%dma_start3A_185 : memref<4x4x1024xf32, #tpu.memory_space<hbm>>) target_semaphore(%arg32 : memref<!tpu.dma_semaphore, #tpu.memory_space<semaphore_mem>>)
    %dma_wait3A_186 = arith.constant 0 : i32
    %dma_wait3A_187 = arith.constant 0 : i32
    %dma_wait3A_188 = tpu.memref_slice %arg4[%dma_wait3A_186, %mul3A_2, %dma_wait3A_187] : memref<4x8192x1024xf32, #tpu.memory_space<hbm>> -> memref<4x4x1024xf32, #tpu.memory_space<hbm>>
    %dma_wait3A_189 = arith.constant 0 : i32
    %dma_wait3A_190 = arith.constant 0 : i32
    %dma_wait3A_191 = tpu.memref_slice %arg4[%dma_wait3A_189, %mul3A_2, %dma_wait3A_190] : memref<4x8192x1024xf32, #tpu.memory_space<hbm>> -> memref<4x4x1024xf32, #tpu.memory_space<hbm>>
    tpu.wait_dma2 semaphore(%arg31 : memref<!tpu.dma_semaphore, #tpu.memory_space<semaphore_mem>>) src(%arg13 : memref<4x4x1024xf32, #tpu.memory_space<vmem>>) dst(%dma_wait3A_191 : memref<4x4x1024xf32, #tpu.memory_space<hbm>>)
    %add3A_192 = arith.constant 248 : i32
    %add3A_193 = arith.addi %mul3A_2, %add3A_192 : i32
    %dma_start3A_194 = arith.constant 0 : i32
    %dma_start3A_195 = tpu.memref_slice %arg3[%add3A_193, %dma_start3A_194] : memref<8192x1024xf32, #tpu.memory_space<hbm>> -> memref<4x1024xf32, #tpu.memory_space<hbm>>
    %dma_start3A_196 = arith.constant 0 : i32
    %dma_start3A_197 = tpu.memref_slice %arg3[%add3A_193, %dma_start3A_196] : memref<8192x1024xf32, #tpu.memory_space<hbm>> -> memref<4x1024xf32, #tpu.memory_space<hbm>>
    tpu.enqueue_dma source(%dma_start3A_197 : memref<4x1024xf32, #tpu.memory_space<hbm>>) target(%arg7 : memref<4x1024xf32, #tpu.memory_space<vmem>>) target_semaphore(%arg19 : memref<!tpu.dma_semaphore, #tpu.memory_space<semaphore_mem>>)
    %dma_start3A_198 = arith.constant 0 : i32
    %dma_start3A_199 = arith.constant 0 : i32
    %dma_start3A_200 = tpu.memref_slice %arg2[%dma_start3A_198, %add3A_193, %dma_start3A_199] : memref<4x8192x1024xf32, #tpu.memory_space<hbm>> -> memref<4x4x1024xf32, #tpu.memory_space<hbm>>
    %dma_start3A_201 = arith.constant 0 : i32
    %dma_start3A_202 = arith.constant 0 : i32
    %dma_start3A_203 = tpu.memref_slice %arg2[%dma_start3A_201, %add3A_193, %dma_start3A_202] : memref<4x8192x1024xf32, #tpu.memory_space<hbm>> -> memref<4x4x1024xf32, #tpu.memory_space<hbm>>
    tpu.enqueue_dma source(%dma_start3A_203 : memref<4x4x1024xf32, #tpu.memory_space<hbm>>) target(%arg13 : memref<4x4x1024xf32, #tpu.memory_space<vmem>>) target_semaphore(%arg25 : memref<!tpu.dma_semaphore, #tpu.memory_space<semaphore_mem>>)
    %dma_wait3A_204 = arith.constant 0 : i32
    %dma_wait3A_205 = tpu.memref_slice %arg3[%mul3A_2, %dma_wait3A_204] : memref<8192x1024xf32, #tpu.memory_space<hbm>> -> memref<4x1024xf32, #tpu.memory_space<hbm>>
    %dma_wait3A_206 = arith.constant 0 : i32
    %dma_wait3A_207 = tpu.memref_slice %arg3[%mul3A_2, %dma_wait3A_206] : memref<8192x1024xf32, #tpu.memory_space<hbm>> -> memref<4x1024xf32, #tpu.memory_space<hbm>>
    tpu.wait_dma2 semaphore(%arg21 : memref<!tpu.dma_semaphore, #tpu.memory_space<semaphore_mem>>) src(%dma_wait3A_207 : memref<4x1024xf32, #tpu.memory_space<hbm>>) dst(%arg9 : memref<4x1024xf32, #tpu.memory_space<vmem>>)
    %dma_wait3A_208 = arith.constant 0 : i32
    %dma_wait3A_209 = arith.constant 0 : i32
    %dma_wait3A_210 = tpu.memref_slice %arg2[%dma_wait3A_208, %mul3A_2, %dma_wait3A_209] : memref<4x8192x1024xf32, #tpu.memory_space<hbm>> -> memref<4x4x1024xf32, #tpu.memory_space<hbm>>
    %dma_wait3A_211 = arith.constant 0 : i32
    %dma_wait3A_212 = arith.constant 0 : i32
    %dma_wait3A_213 = tpu.memref_slice %arg2[%dma_wait3A_211, %mul3A_2, %dma_wait3A_212] : memref<4x8192x1024xf32, #tpu.memory_space<hbm>> -> memref<4x4x1024xf32, #tpu.memory_space<hbm>>
    tpu.wait_dma2 semaphore(%arg27 : memref<!tpu.dma_semaphore, #tpu.memory_space<semaphore_mem>>) src(%dma_wait3A_213 : memref<4x4x1024xf32, #tpu.memory_space<hbm>>) dst(%arg15 : memref<4x4x1024xf32, #tpu.memory_space<vmem>>)
    %add3A_214 = arith.constant 232 : i32
    %add3A_215 = arith.addi %mul3A_2, %add3A_214 : i32
    %dma_start3A_216 = arith.constant 0 : i32
    %dma_start3A_217 = arith.constant 0 : i32
    %dma_start3A_218 = tpu.memref_slice %arg4[%dma_start3A_216, %add3A_215, %dma_start3A_217] : memref<4x8192x1024xf32, #tpu.memory_space<hbm>> -> memref<4x4x1024xf32, #tpu.memory_space<hbm>>
    %dma_start3A_219 = arith.constant 0 : i32
    %dma_start3A_220 = arith.constant 0 : i32
    %dma_start3A_221 = tpu.memref_slice %arg4[%dma_start3A_219, %add3A_215, %dma_start3A_220] : memref<4x8192x1024xf32, #tpu.memory_space<hbm>> -> memref<4x4x1024xf32, #tpu.memory_space<hbm>>
    tpu.enqueue_dma source(%arg15 : memref<4x4x1024xf32, #tpu.memory_space<vmem>>) target(%dma_start3A_221 : memref<4x4x1024xf32, #tpu.memory_space<hbm>>) target_semaphore(%arg33 : memref<!tpu.dma_semaphore, #tpu.memory_space<semaphore_mem>>)
    %dma_wait3A_222 = arith.constant 0 : i32
    %dma_wait3A_223 = arith.constant 0 : i32
    %dma_wait3A_224 = tpu.memref_slice %arg4[%dma_wait3A_222, %mul3A_2, %dma_wait3A_223] : memref<4x8192x1024xf32, #tpu.memory_space<hbm>> -> memref<4x4x1024xf32, #tpu.memory_space<hbm>>
    %dma_wait3A_225 = arith.constant 0 : i32
    %dma_wait3A_226 = arith.constant 0 : i32
    %dma_wait3A_227 = tpu.memref_slice %arg4[%dma_wait3A_225, %mul3A_2, %dma_wait3A_226] : memref<4x8192x1024xf32, #tpu.memory_space<hbm>> -> memref<4x4x1024xf32, #tpu.memory_space<hbm>>
    tpu.wait_dma2 semaphore(%arg32 : memref<!tpu.dma_semaphore, #tpu.memory_space<semaphore_mem>>) src(%arg14 : memref<4x4x1024xf32, #tpu.memory_space<vmem>>) dst(%dma_wait3A_227 : memref<4x4x1024xf32, #tpu.memory_space<hbm>>)
    %add3A_228 = arith.constant 252 : i32
    %add3A_229 = arith.addi %mul3A_2, %add3A_228 : i32
    %dma_start3A_230 = arith.constant 0 : i32
    %dma_start3A_231 = tpu.memref_slice %arg3[%add3A_229, %dma_start3A_230] : memref<8192x1024xf32, #tpu.memory_space<hbm>> -> memref<4x1024xf32, #tpu.memory_space<hbm>>
    %dma_start3A_232 = arith.constant 0 : i32
    %dma_start3A_233 = tpu.memref_slice %arg3[%add3A_229, %dma_start3A_232] : memref<8192x1024xf32, #tpu.memory_space<hbm>> -> memref<4x1024xf32, #tpu.memory_space<hbm>>
    tpu.enqueue_dma source(%dma_start3A_233 : memref<4x1024xf32, #tpu.memory_space<hbm>>) target(%arg8 : memref<4x1024xf32, #tpu.memory_space<vmem>>) target_semaphore(%arg20 : memref<!tpu.dma_semaphore, #tpu.memory_space<semaphore_mem>>)
    %dma_start3A_234 = arith.constant 0 : i32
    %dma_start3A_235 = arith.constant 0 : i32
    %dma_start3A_236 = tpu.memref_slice %arg2[%dma_start3A_234, %add3A_229, %dma_start3A_235] : memref<4x8192x1024xf32, #tpu.memory_space<hbm>> -> memref<4x4x1024xf32, #tpu.memory_space<hbm>>
    %dma_start3A_237 = arith.constant 0 : i32
    %dma_start3A_238 = arith.constant 0 : i32
    %dma_start3A_239 = tpu.memref_slice %arg2[%dma_start3A_237, %add3A_229, %dma_start3A_238] : memref<4x8192x1024xf32, #tpu.memory_space<hbm>> -> memref<4x4x1024xf32, #tpu.memory_space<hbm>>
    tpu.enqueue_dma source(%dma_start3A_239 : memref<4x4x1024xf32, #tpu.memory_space<hbm>>) target(%arg14 : memref<4x4x1024xf32, #tpu.memory_space<vmem>>) target_semaphore(%arg26 : memref<!tpu.dma_semaphore, #tpu.memory_space<semaphore_mem>>)
    %dma_wait3A_240 = arith.constant 0 : i32
    %dma_wait3A_241 = tpu.memref_slice %arg3[%mul3A_2, %dma_wait3A_240] : memref<8192x1024xf32, #tpu.memory_space<hbm>> -> memref<4x1024xf32, #tpu.memory_space<hbm>>
    %dma_wait3A_242 = arith.constant 0 : i32
    %dma_wait3A_243 = tpu.memref_slice %arg3[%mul3A_2, %dma_wait3A_242] : memref<8192x1024xf32, #tpu.memory_space<hbm>> -> memref<4x1024xf32, #tpu.memory_space<hbm>>
    tpu.wait_dma2 semaphore(%arg22 : memref<!tpu.dma_semaphore, #tpu.memory_space<semaphore_mem>>) src(%dma_wait3A_243 : memref<4x1024xf32, #tpu.memory_space<hbm>>) dst(%arg10 : memref<4x1024xf32, #tpu.memory_space<vmem>>)
    %dma_wait3A_244 = arith.constant 0 : i32
    %dma_wait3A_245 = arith.constant 0 : i32
    %dma_wait3A_246 = tpu.memref_slice %arg2[%dma_wait3A_244, %mul3A_2, %dma_wait3A_245] : memref<4x8192x1024xf32, #tpu.memory_space<hbm>> -> memref<4x4x1024xf32, #tpu.memory_space<hbm>>
    %dma_wait3A_247 = arith.constant 0 : i32
    %dma_wait3A_248 = arith.constant 0 : i32
    %dma_wait3A_249 = tpu.memref_slice %arg2[%dma_wait3A_247, %mul3A_2, %dma_wait3A_248] : memref<4x8192x1024xf32, #tpu.memory_space<hbm>> -> memref<4x4x1024xf32, #tpu.memory_space<hbm>>
    tpu.wait_dma2 semaphore(%arg28 : memref<!tpu.dma_semaphore, #tpu.memory_space<semaphore_mem>>) src(%dma_wait3A_249 : memref<4x4x1024xf32, #tpu.memory_space<hbm>>) dst(%arg16 : memref<4x4x1024xf32, #tpu.memory_space<vmem>>)
    %add3A_250 = arith.constant 236 : i32
    %add3A_251 = arith.addi %mul3A_2, %add3A_250 : i32
    %dma_start3A_252 = arith.constant 0 : i32
    %dma_start3A_253 = arith.constant 0 : i32
    %dma_start3A_254 = tpu.memref_slice %arg4[%dma_start3A_252, %add3A_251, %dma_start3A_253] : memref<4x8192x1024xf32, #tpu.memory_space<hbm>> -> memref<4x4x1024xf32, #tpu.memory_space<hbm>>
    %dma_start3A_255 = arith.constant 0 : i32
    %dma_start3A_256 = arith.constant 0 : i32
    %dma_start3A_257 = tpu.memref_slice %arg4[%dma_start3A_255, %add3A_251, %dma_start3A_256] : memref<4x8192x1024xf32, #tpu.memory_space<hbm>> -> memref<4x4x1024xf32, #tpu.memory_space<hbm>>
    tpu.enqueue_dma source(%arg16 : memref<4x4x1024xf32, #tpu.memory_space<vmem>>) target(%dma_start3A_257 : memref<4x4x1024xf32, #tpu.memory_space<hbm>>) target_semaphore(%arg34 : memref<!tpu.dma_semaphore, #tpu.memory_space<semaphore_mem>>)
    %dma_wait3A_258 = arith.constant 0 : i32
    %dma_wait3A_259 = arith.constant 0 : i32
    %dma_wait3A_260 = tpu.memref_slice %arg4[%dma_wait3A_258, %mul3A_2, %dma_wait3A_259] : memref<4x8192x1024xf32, #tpu.memory_space<hbm>> -> memref<4x4x1024xf32, #tpu.memory_space<hbm>>
    %dma_wait3A_261 = arith.constant 0 : i32
    %dma_wait3A_262 = arith.constant 0 : i32
    %dma_wait3A_263 = tpu.memref_slice %arg4[%dma_wait3A_261, %mul3A_2, %dma_wait3A_262] : memref<4x8192x1024xf32, #tpu.memory_space<hbm>> -> memref<4x4x1024xf32, #tpu.memory_space<hbm>>
    tpu.wait_dma2 semaphore(%arg33 : memref<!tpu.dma_semaphore, #tpu.memory_space<semaphore_mem>>) src(%arg15 : memref<4x4x1024xf32, #tpu.memory_space<vmem>>) dst(%dma_wait3A_263 : memref<4x4x1024xf32, #tpu.memory_space<hbm>>)
    %dma_wait3A_264 = arith.constant 0 : i32
    %dma_wait3A_265 = tpu.memref_slice %arg3[%mul3A_2, %dma_wait3A_264] : memref<8192x1024xf32, #tpu.memory_space<hbm>> -> memref<4x1024xf32, #tpu.memory_space<hbm>>
    %dma_wait3A_266 = arith.constant 0 : i32
    %dma_wait3A_267 = tpu.memref_slice %arg3[%mul3A_2, %dma_wait3A_266] : memref<8192x1024xf32, #tpu.memory_space<hbm>> -> memref<4x1024xf32, #tpu.memory_space<hbm>>
    tpu.wait_dma2 semaphore(%arg17 : memref<!tpu.dma_semaphore, #tpu.memory_space<semaphore_mem>>) src(%dma_wait3A_267 : memref<4x1024xf32, #tpu.memory_space<hbm>>) dst(%arg5 : memref<4x1024xf32, #tpu.memory_space<vmem>>)
    %dma_wait3A_268 = arith.constant 0 : i32
    %dma_wait3A_269 = arith.constant 0 : i32
    %dma_wait3A_270 = tpu.memref_slice %arg2[%dma_wait3A_268, %mul3A_2, %dma_wait3A_269] : memref<4x8192x1024xf32, #tpu.memory_space<hbm>> -> memref<4x4x1024xf32, #tpu.memory_space<hbm>>
    %dma_wait3A_271 = arith.constant 0 : i32
    %dma_wait3A_272 = arith.constant 0 : i32
    %dma_wait3A_273 = tpu.memref_slice %arg2[%dma_wait3A_271, %mul3A_2, %dma_wait3A_272] : memref<4x8192x1024xf32, #tpu.memory_space<hbm>> -> memref<4x4x1024xf32, #tpu.memory_space<hbm>>
    tpu.wait_dma2 semaphore(%arg23 : memref<!tpu.dma_semaphore, #tpu.memory_space<semaphore_mem>>) src(%dma_wait3A_273 : memref<4x4x1024xf32, #tpu.memory_space<hbm>>) dst(%arg11 : memref<4x4x1024xf32, #tpu.memory_space<vmem>>)
    %add3A_274 = arith.constant 240 : i32
    %add3A_275 = arith.addi %mul3A_2, %add3A_274 : i32
    %dma_start3A_276 = arith.constant 0 : i32
    %dma_start3A_277 = arith.constant 0 : i32
    %dma_start3A_278 = tpu.memref_slice %arg4[%dma_start3A_276, %add3A_275, %dma_start3A_277] : memref<4x8192x1024xf32, #tpu.memory_space<hbm>> -> memref<4x4x1024xf32, #tpu.memory_space<hbm>>
    %dma_start3A_279 = arith.constant 0 : i32
    %dma_start3A_280 = arith.constant 0 : i32
    %dma_start3A_281 = tpu.memref_slice %arg4[%dma_start3A_279, %add3A_275, %dma_start3A_280] : memref<4x8192x1024xf32, #tpu.memory_space<hbm>> -> memref<4x4x1024xf32, #tpu.memory_space<hbm>>
    tpu.enqueue_dma source(%arg11 : memref<4x4x1024xf32, #tpu.memory_space<vmem>>) target(%dma_start3A_281 : memref<4x4x1024xf32, #tpu.memory_space<hbm>>) target_semaphore(%arg29 : memref<!tpu.dma_semaphore, #tpu.memory_space<semaphore_mem>>)
    %dma_wait3A_282 = arith.constant 0 : i32
    %dma_wait3A_283 = arith.constant 0 : i32
    %dma_wait3A_284 = tpu.memref_slice %arg4[%dma_wait3A_282, %mul3A_2, %dma_wait3A_283] : memref<4x8192x1024xf32, #tpu.memory_space<hbm>> -> memref<4x4x1024xf32, #tpu.memory_space<hbm>>
    %dma_wait3A_285 = arith.constant 0 : i32
    %dma_wait3A_286 = arith.constant 0 : i32
    %dma_wait3A_287 = tpu.memref_slice %arg4[%dma_wait3A_285, %mul3A_2, %dma_wait3A_286] : memref<4x8192x1024xf32, #tpu.memory_space<hbm>> -> memref<4x4x1024xf32, #tpu.memory_space<hbm>>
    tpu.wait_dma2 semaphore(%arg34 : memref<!tpu.dma_semaphore, #tpu.memory_space<semaphore_mem>>) src(%arg16 : memref<4x4x1024xf32, #tpu.memory_space<vmem>>) dst(%dma_wait3A_287 : memref<4x4x1024xf32, #tpu.memory_space<hbm>>)
    %dma_wait3A_288 = arith.constant 0 : i32
    %dma_wait3A_289 = tpu.memref_slice %arg3[%mul3A_2, %dma_wait3A_288] : memref<8192x1024xf32, #tpu.memory_space<hbm>> -> memref<4x1024xf32, #tpu.memory_space<hbm>>
    %dma_wait3A_290 = arith.constant 0 : i32
    %dma_wait3A_291 = tpu.memref_slice %arg3[%mul3A_2, %dma_wait3A_290] : memref<8192x1024xf32, #tpu.memory_space<hbm>> -> memref<4x1024xf32, #tpu.memory_space<hbm>>
    tpu.wait_dma2 semaphore(%arg18 : memref<!tpu.dma_semaphore, #tpu.memory_space<semaphore_mem>>) src(%dma_wait3A_291 : memref<4x1024xf32, #tpu.memory_space<hbm>>) dst(%arg6 : memref<4x1024xf32, #tpu.memory_space<vmem>>)
    %dma_wait3A_292 = arith.constant 0 : i32
    %dma_wait3A_293 = arith.constant 0 : i32
    %dma_wait3A_294 = tpu.memref_slice %arg2[%dma_wait3A_292, %mul3A_2, %dma_wait3A_293] : memref<4x8192x1024xf32, #tpu.memory_space<hbm>> -> memref<4x4x1024xf32, #tpu.memory_space<hbm>>
    %dma_wait3A_295 = arith.constant 0 : i32
    %dma_wait3A_296 = arith.constant 0 : i32
    %dma_wait3A_297 = tpu.memref_slice %arg2[%dma_wait3A_295, %mul3A_2, %dma_wait3A_296] : memref<4x8192x1024xf32, #tpu.memory_space<hbm>> -> memref<4x4x1024xf32, #tpu.memory_space<hbm>>
    tpu.wait_dma2 semaphore(%arg24 : memref<!tpu.dma_semaphore, #tpu.memory_space<semaphore_mem>>) src(%dma_wait3A_297 : memref<4x4x1024xf32, #tpu.memory_space<hbm>>) dst(%arg12 : memref<4x4x1024xf32, #tpu.memory_space<vmem>>)
    %add3A_298 = arith.constant 244 : i32
    %add3A_299 = arith.addi %mul3A_2, %add3A_298 : i32
    %dma_start3A_300 = arith.constant 0 : i32
    %dma_start3A_301 = arith.constant 0 : i32
    %dma_start3A_302 = tpu.memref_slice %arg4[%dma_start3A_300, %add3A_299, %dma_start3A_301] : memref<4x8192x1024xf32, #tpu.memory_space<hbm>> -> memref<4x4x1024xf32, #tpu.memory_space<hbm>>
    %dma_start3A_303 = arith.constant 0 : i32
    %dma_start3A_304 = arith.constant 0 : i32
    %dma_start3A_305 = tpu.memref_slice %arg4[%dma_start3A_303, %add3A_299, %dma_start3A_304] : memref<4x8192x1024xf32, #tpu.memory_space<hbm>> -> memref<4x4x1024xf32, #tpu.memory_space<hbm>>
    tpu.enqueue_dma source(%arg12 : memref<4x4x1024xf32, #tpu.memory_space<vmem>>) target(%dma_start3A_305 : memref<4x4x1024xf32, #tpu.memory_space<hbm>>) target_semaphore(%arg30 : memref<!tpu.dma_semaphore, #tpu.memory_space<semaphore_mem>>)
    %dma_wait3A_306 = arith.constant 0 : i32
    %dma_wait3A_307 = arith.constant 0 : i32
    %dma_wait3A_308 = tpu.memref_slice %arg4[%dma_wait3A_306, %mul3A_2, %dma_wait3A_307] : memref<4x8192x1024xf32, #tpu.memory_space<hbm>> -> memref<4x4x1024xf32, #tpu.memory_space<hbm>>
    %dma_wait3A_309 = arith.constant 0 : i32
    %dma_wait3A_310 = arith.constant 0 : i32
    %dma_wait3A_311 = tpu.memref_slice %arg4[%dma_wait3A_309, %mul3A_2, %dma_wait3A_310] : memref<4x8192x1024xf32, #tpu.memory_space<hbm>> -> memref<4x4x1024xf32, #tpu.memory_space<hbm>>
    tpu.wait_dma2 semaphore(%arg29 : memref<!tpu.dma_semaphore, #tpu.memory_space<semaphore_mem>>) src(%arg11 : memref<4x4x1024xf32, #tpu.memory_space<vmem>>) dst(%dma_wait3A_311 : memref<4x4x1024xf32, #tpu.memory_space<hbm>>)
    %dma_wait3A_312 = arith.constant 0 : i32
    %dma_wait3A_313 = tpu.memref_slice %arg3[%mul3A_2, %dma_wait3A_312] : memref<8192x1024xf32, #tpu.memory_space<hbm>> -> memref<4x1024xf32, #tpu.memory_space<hbm>>
    %dma_wait3A_314 = arith.constant 0 : i32
    %dma_wait3A_315 = tpu.memref_slice %arg3[%mul3A_2, %dma_wait3A_314] : memref<8192x1024xf32, #tpu.memory_space<hbm>> -> memref<4x1024xf32, #tpu.memory_space<hbm>>
    tpu.wait_dma2 semaphore(%arg19 : memref<!tpu.dma_semaphore, #tpu.memory_space<semaphore_mem>>) src(%dma_wait3A_315 : memref<4x1024xf32, #tpu.memory_space<hbm>>) dst(%arg7 : memref<4x1024xf32, #tpu.memory_space<vmem>>)
    %dma_wait3A_316 = arith.constant 0 : i32
    %dma_wait3A_317 = arith.constant 0 : i32
    %dma_wait3A_318 = tpu.memref_slice %arg2[%dma_wait3A_316, %mul3A_2, %dma_wait3A_317] : memref<4x8192x1024xf32, #tpu.memory_space<hbm>> -> memref<4x4x1024xf32, #tpu.memory_space<hbm>>
    %dma_wait3A_319 = arith.constant 0 : i32
    %dma_wait3A_320 = arith.constant 0 : i32
    %dma_wait3A_321 = tpu.memref_slice %arg2[%dma_wait3A_319, %mul3A_2, %dma_wait3A_320] : memref<4x8192x1024xf32, #tpu.memory_space<hbm>> -> memref<4x4x1024xf32, #tpu.memory_space<hbm>>
    tpu.wait_dma2 semaphore(%arg25 : memref<!tpu.dma_semaphore, #tpu.memory_space<semaphore_mem>>) src(%dma_wait3A_321 : memref<4x4x1024xf32, #tpu.memory_space<hbm>>) dst(%arg13 : memref<4x4x1024xf32, #tpu.memory_space<vmem>>)
    %add3A_322 = arith.constant 248 : i32
    %add3A_323 = arith.addi %mul3A_2, %add3A_322 : i32
    %dma_start3A_324 = arith.constant 0 : i32
    %dma_start3A_325 = arith.constant 0 : i32
    %dma_start3A_326 = tpu.memref_slice %arg4[%dma_start3A_324, %add3A_323, %dma_start3A_325] : memref<4x8192x1024xf32, #tpu.memory_space<hbm>> -> memref<4x4x1024xf32, #tpu.memory_space<hbm>>
    %dma_start3A_327 = arith.constant 0 : i32
    %dma_start3A_328 = arith.constant 0 : i32
    %dma_start3A_329 = tpu.memref_slice %arg4[%dma_start3A_327, %add3A_323, %dma_start3A_328] : memref<4x8192x1024xf32, #tpu.memory_space<hbm>> -> memref<4x4x1024xf32, #tpu.memory_space<hbm>>
    tpu.enqueue_dma source(%arg13 : memref<4x4x1024xf32, #tpu.memory_space<vmem>>) target(%dma_start3A_329 : memref<4x4x1024xf32, #tpu.memory_space<hbm>>) target_semaphore(%arg31 : memref<!tpu.dma_semaphore, #tpu.memory_space<semaphore_mem>>)
    %dma_wait3A_330 = arith.constant 0 : i32
    %dma_wait3A_331 = arith.constant 0 : i32
    %dma_wait3A_332 = tpu.memref_slice %arg4[%dma_wait3A_330, %mul3A_2, %dma_wait3A_331] : memref<4x8192x1024xf32, #tpu.memory_space<hbm>> -> memref<4x4x1024xf32, #tpu.memory_space<hbm>>
    %dma_wait3A_333 = arith.constant 0 : i32
    %dma_wait3A_334 = arith.constant 0 : i32
    %dma_wait3A_335 = tpu.memref_slice %arg4[%dma_wait3A_333, %mul3A_2, %dma_wait3A_334] : memref<4x8192x1024xf32, #tpu.memory_space<hbm>> -> memref<4x4x1024xf32, #tpu.memory_space<hbm>>
    tpu.wait_dma2 semaphore(%arg30 : memref<!tpu.dma_semaphore, #tpu.memory_space<semaphore_mem>>) src(%arg12 : memref<4x4x1024xf32, #tpu.memory_space<vmem>>) dst(%dma_wait3A_335 : memref<4x4x1024xf32, #tpu.memory_space<hbm>>)
    %dma_wait3A_336 = arith.constant 0 : i32
    %dma_wait3A_337 = tpu.memref_slice %arg3[%mul3A_2, %dma_wait3A_336] : memref<8192x1024xf32, #tpu.memory_space<hbm>> -> memref<4x1024xf32, #tpu.memory_space<hbm>>
    %dma_wait3A_338 = arith.constant 0 : i32
    %dma_wait3A_339 = tpu.memref_slice %arg3[%mul3A_2, %dma_wait3A_338] : memref<8192x1024xf32, #tpu.memory_space<hbm>> -> memref<4x1024xf32, #tpu.memory_space<hbm>>
    tpu.wait_dma2 semaphore(%arg20 : memref<!tpu.dma_semaphore, #tpu.memory_space<semaphore_mem>>) src(%dma_wait3A_339 : memref<4x1024xf32, #tpu.memory_space<hbm>>) dst(%arg8 : memref<4x1024xf32, #tpu.memory_space<vmem>>)
    %dma_wait3A_340 = arith.constant 0 : i32
    %dma_wait3A_341 = arith.constant 0 : i32
    %dma_wait3A_342 = tpu.memref_slice %arg2[%dma_wait3A_340, %mul3A_2, %dma_wait3A_341] : memref<4x8192x1024xf32, #tpu.memory_space<hbm>> -> memref<4x4x1024xf32, #tpu.memory_space<hbm>>
    %dma_wait3A_343 = arith.constant 0 : i32
    %dma_wait3A_344 = arith.constant 0 : i32
    %dma_wait3A_345 = tpu.memref_slice %arg2[%dma_wait3A_343, %mul3A_2, %dma_wait3A_344] : memref<4x8192x1024xf32, #tpu.memory_space<hbm>> -> memref<4x4x1024xf32, #tpu.memory_space<hbm>>
    tpu.wait_dma2 semaphore(%arg26 : memref<!tpu.dma_semaphore, #tpu.memory_space<semaphore_mem>>) src(%dma_wait3A_345 : memref<4x4x1024xf32, #tpu.memory_space<hbm>>) dst(%arg14 : memref<4x4x1024xf32, #tpu.memory_space<vmem>>)
    %add3A_346 = arith.constant 252 : i32
    %add3A_347 = arith.addi %mul3A_2, %add3A_346 : i32
    %dma_start3A_348 = arith.constant 0 : i32
    %dma_start3A_349 = arith.constant 0 : i32
    %dma_start3A_350 = tpu.memref_slice %arg4[%dma_start3A_348, %add3A_347, %dma_start3A_349] : memref<4x8192x1024xf32, #tpu.memory_space<hbm>> -> memref<4x4x1024xf32, #tpu.memory_space<hbm>>
    %dma_start3A_351 = arith.constant 0 : i32
    %dma_start3A_352 = arith.constant 0 : i32
    %dma_start3A_353 = tpu.memref_slice %arg4[%dma_start3A_351, %add3A_347, %dma_start3A_352] : memref<4x8192x1024xf32, #tpu.memory_space<hbm>> -> memref<4x4x1024xf32, #tpu.memory_space<hbm>>
    tpu.enqueue_dma source(%arg14 : memref<4x4x1024xf32, #tpu.memory_space<vmem>>) target(%dma_start3A_353 : memref<4x4x1024xf32, #tpu.memory_space<hbm>>) target_semaphore(%arg32 : memref<!tpu.dma_semaphore, #tpu.memory_space<semaphore_mem>>)
    %dma_wait3A_354 = arith.constant 0 : i32
    %dma_wait3A_355 = arith.constant 0 : i32
    %dma_wait3A_356 = tpu.memref_slice %arg4[%dma_wait3A_354, %mul3A_2, %dma_wait3A_355] : memref<4x8192x1024xf32, #tpu.memory_space<hbm>> -> memref<4x4x1024xf32, #tpu.memory_space<hbm>>
    %dma_wait3A_357 = arith.constant 0 : i32
    %dma_wait3A_358 = arith.constant 0 : i32
    %dma_wait3A_359 = tpu.memref_slice %arg4[%dma_wait3A_357, %mul3A_2, %dma_wait3A_358] : memref<4x8192x1024xf32, #tpu.memory_space<hbm>> -> memref<4x4x1024xf32, #tpu.memory_space<hbm>>
    tpu.wait_dma2 semaphore(%arg31 : memref<!tpu.dma_semaphore, #tpu.memory_space<semaphore_mem>>) src(%arg13 : memref<4x4x1024xf32, #tpu.memory_space<vmem>>) dst(%dma_wait3A_359 : memref<4x4x1024xf32, #tpu.memory_space<hbm>>)
    %dma_wait3A_360 = arith.constant 0 : i32
    %dma_wait3A_361 = arith.constant 0 : i32
    %dma_wait3A_362 = tpu.memref_slice %arg4[%dma_wait3A_360, %mul3A_2, %dma_wait3A_361] : memref<4x8192x1024xf32, #tpu.memory_space<hbm>> -> memref<4x4x1024xf32, #tpu.memory_space<hbm>>
    %dma_wait3A_363 = arith.constant 0 : i32
    %dma_wait3A_364 = arith.constant 0 : i32
    %dma_wait3A_365 = tpu.memref_slice %arg4[%dma_wait3A_363, %mul3A_2, %dma_wait3A_364] : memref<4x8192x1024xf32, #tpu.memory_space<hbm>> -> memref<4x4x1024xf32, #tpu.memory_space<hbm>>
    tpu.wait_dma2 semaphore(%arg32 : memref<!tpu.dma_semaphore, #tpu.memory_space<semaphore_mem>>) src(%arg14 : memref<4x4x1024xf32, #tpu.memory_space<vmem>>) dst(%dma_wait3A_365 : memref<4x4x1024xf32, #tpu.memory_space<hbm>>)
    return
  }
}

</mosaic_0001>

<sc_bundles>
// kernel: kernel.3.cloned.1.call-start
scs
__scs_entry_jumppad:
0x0: {  	(pc) =	sbr.rel $0x88, $3  }
0x1: {  	(tag) =	ssettag $0x0;
	lr =	simm.s32 $0x1  }
0x2: {  	[smem:$0x3F9F] =	sst lr;
	_ =	strace $0xD0000000  }
0x3: {  	_ = 	snop  }
0x4: {  	_ = 	snop  }
0x5: {  	_ = 	snop  }
0x6: {  	_ = 	snop  }
0x7: {  	_ = 	snop  }
__scs_overlays_trampoline_lowered:
0x8: {  	[smem:$0x3FAE] =	sst s0  }
0x9: {  	[smem:$0x3FAF] =	sst s1  }
0xa: {  	[smem:$0x3FB0] =	sst s2  }
0xb: {  	[smem:$0x3FB1] =	sst s3  }
0xc: {  	[smem:$0x3FB2] =	sst s4  }
0xd: {  	[smem:$0x3FB3] =	sst s5  }
0xe: {  	[smem:$0x3FB4] =	sst s6  }
0xf: {  	[smem:$0x3FB5] =	sst s7  }
0x10: {  	[smem:$0x3FB6] =	sst s8  }
0x11: {  	[smem:$0x3FB7] =	sst s9;
	s0 =	simm.s32 @!p0 $0x0  }
0x12: {  	s1 =	sld [smem:$0x3F9D];
	s0 =	simm.s32 @p0 $0x1  }
0x13: {  	[smem:$0x3FB8] =	sst s0;
	s0 =	simm.s32 @!p1 $0x0  }
0x14: {  	s2 =	sld [smem:$0x3F9C];
	s0 =	simm.s32 @p1 $0x1  }
0x15: {  	[smem:$0x3FB9] =	sst s0;
	s0 =	simm.s32 @!p2 $0x0  }
0x16: {  	s3 =	sld [smem:$0x3FDB];
	s0 =	simm.s32 @p2 $0x1  }
0x17: {  	s4 =	simm.s32 $0x1BF5;
	[smem:$0x3FBB] =	sst s0  }
0x18: {  	s0 =	sld [smem:$0x3F9E];
	_ =	swait.ge [sflag:s4], $0x0  }
0x19: {  	s7 =	sld [smem:$0x3F9F]  }
0x1a: {  	s8 =	sadd.s32 $0xFFFFE003, lr  }
0x1b: {  	s9 =	sadd.s32 $0xFFFFFEF7, lr;
	s5 =	simm.s32 $0xFFFFFFFF;
	p2 =	slt.u32 s8, $0xFFFFF086  }
0x1c: {  	p1 =	slt.u32 s9, $0xF7A;
	s5 =	simm.s32 @!p2 $0x0  }
0x1d: {  	s5 =	simm.s32 @p1 $0x1;
	p0 =	seq.s32 s7, s2  }
0x1e: {  	s7 =	smul.u32 @!p0 $0xF7A, s2;
	p2 =	seq.s32 @!p0 s5, $0x0  }
0x1f: {  	s9 =	smul.u32 $0xF7A, s1;
	s8 =	simm.s32 @!p0 $0x1BF5;
	p2 =	por !p2, p0  }
0x20: {  	[sflag:s8] =	ssyncset.s32 @!p0 $0xFFFFF086;
	s6 =	sadd.s32 @!p0 s3, s7;
	s7 =	simm.s32 @!p0 $0x108  }
0x21: {  	s3 =	sadd.s32 s3, s9;
	s6 =	sadd.s32 @!p0 $0x88, s6;
	s7 =	simm.s32 @p2 $0x1082  }
0x22: {  	[simem:s7], [sflag:s8] =	dma.local @!p0 [hbm:s6], $0xF7A  }
0x23: {  	s9 =	sor.u32 $0xD0000000, s2;
	s6 =	simm.s32 $0x108;
	_ =	swait.ge @!p0 [sflag:s8], $0x0  }
0x24: {  	s3 =	sadd.s32 $0x88, s3;
	s6 =	simm.s32 @!p1 $0x1082;
	[sflag:s4] =	ssyncset.s32 $0xFFFFF086  }
0x25: {  	[simem:s6], [sflag:s4] =	dma.local [hbm:s3], $0xF7A  }
0x26: {  	[smem:$0x3F9F] =	sst s1;
	(tag) =	ssettag s2;
	_ =	strace s9  }
0x27: {  	s1 =	sld [smem:$0x3FAF]  }
0x28: {  	s2 =	sld [smem:$0x3FB0]  }
0x29: {  	s4 =	sld [smem:$0x3FB2]  }
0x2a: {  	p0 =	seq.s32 s5, $0x0;
	s5 =	sld [smem:$0x3FB3]  }
0x2b: {  	s6 =	sld [smem:$0x3FB4]  }
0x2c: {  	s7 =	sld [smem:$0x3FB5]  }
0x2d: {  	s3 =	simm.s32 $0x108;
	s8 =	sld [smem:$0x3FB6]  }
0x2e: {  	s3 =	simm.s32 @!p0 $0x1082;
	s9 =	sld [smem:$0x3FB7]  }
0x2f: {  	lr =	sadd.s32 s0, s3;
	s0 =	sld [smem:$0x3FAE]  }
0x30: {  	s3 =	sld [smem:$0x3FB1]  }
0x31: {  	[smem:$0x3FBA] =	sst s10  }
0x32: {  	s10 =	sld [smem:$0x3FB8];
	_ =	sdelay $0x3  }
0x33: {  	p0 =	seq.s32 s10, $0x1;
	s10 =	sld [smem:$0x3FBA];
	_ =	sdelay $0x3  }
0x34: {  	[smem:$0x3FBA] =	sst s10  }
0x35: {  	s10 =	sld [smem:$0x3FB9];
	_ =	sdelay $0x3  }
0x36: {  	p1 =	seq.s32 s10, $0x1;
	s10 =	sld [smem:$0x3FBA];
	_ =	sdelay $0x3  }
0x37: {  	[smem:$0x3FBA] =	sst s10  }
0x38: {  	s10 =	sld [smem:$0x3FBB]  }
0x39: {  	_ = 	snop;
	(pc) =	sbr.ind lr, $3  }
0x3a: {  	_ = 	snop  }
0x3b: {  	_ = 	snop  }
0x3c: {  	p2 =	seq.s32 s10, $0x1;
	s10 =	sld [smem:$0x3FBA]  }
0x3d: {  	_ =	shalt  }
0x3e: {  	_ =	shalt  }
0x3f: {  	_ =	shalt  }
0x40: {  	_ =	shalt  }
0x41: {  	_ =	shalt  }
0x42: {  	_ =	shalt  }
0x43: {  	_ =	shalt  }
0x44: {  	_ =	shalt  }
0x45: {  	_ =	shalt  }
0x46: {  	_ =	shalt  }
0x47: {  	_ =	shalt  }
0x48: {  	_ =	shalt  }
0x49: {  	_ =	shalt  }
0x4a: {  	_ =	shalt  }
0x4b: {  	_ =	shalt  }
0x4c: {  	_ =	shalt  }
0x4d: {  	_ =	shalt  }
0x4e: {  	_ =	shalt  }
0x4f: {  	_ =	shalt  }
0x50: {  	_ =	shalt  }
0x51: {  	_ =	shalt  }
0x52: {  	_ =	shalt  }
0x53: {  	_ =	shalt  }
0x54: {  	_ =	shalt  }
0x55: {  	_ =	shalt  }
0x56: {  	_ =	shalt  }
0x57: {  	_ =	shalt  }
0x58: {  	_ =	shalt  }
0x59: {  	_ =	shalt  }
0x5a: {  	_ =	shalt  }
0x5b: {  	_ =	shalt  }
0x5c: {  	_ =	shalt  }
0x5d: {  	_ =	shalt  }
0x5e: {  	_ =	shalt  }
0x5f: {  	_ =	shalt  }
0x60: {  	_ =	shalt  }
0x61: {  	_ =	shalt  }
0x62: {  	_ =	shalt  }
0x63: {  	_ =	shalt  }
0x64: {  	_ =	shalt  }
0x65: {  	_ =	shalt  }
0x66: {  	_ =	shalt  }
0x67: {  	_ =	shalt  }
0x68: {  	_ =	shalt  }
0x69: {  	_ =	shalt  }
0x6a: {  	_ =	shalt  }
0x6b: {  	_ =	shalt  }
0x6c: {  	_ =	shalt  }
0x6d: {  	_ =	shalt  }
0x6e: {  	_ =	shalt  }
0x6f: {  	_ =	shalt  }
0x70: {  	_ =	shalt  }
0x71: {  	_ =	shalt  }
0x72: {  	_ =	shalt  }
0x73: {  	_ =	shalt  }
0x74: {  	_ =	shalt  }
0x75: {  	_ =	shalt  }
0x76: {  	_ =	shalt  }
0x77: {  	_ =	shalt  }
0x78: {  	_ =	shalt  }
0x79: {  	_ =	shalt  }
0x7a: {  	_ =	shalt  }
0x7b: {  	_ =	shalt  }
0x7c: {  	_ =	shalt  }
0x7d: {  	_ =	shalt  }
0x7e: {  	_ =	shalt  }
0x7f: {  	_ =	shalt  }
0x80: {  	_ =	shalt  }
0x81: {  	_ =	shalt  }
0x82: {  	_ =	shalt  }
0x83: {  	_ =	shalt  }
0x84: {  	_ =	shalt  }
0x85: {  	_ =	shalt  }
0x86: {  	_ =	shalt  }
0x87: {  	_ =	shalt  }
.Lfunc_end0:
.L_simem_size_0:
called_computation_lowered:
.L_overlay_start_0:
0x88: {  	s2 =	sld [smem:$0x3FD9]  }
0x89: {  	s3 =	sld [smem:$0x3FFE];
	_ =	sdelay $0x1  }
0x8a: {  	s1 =	srdreg.scid  }
0x8b: {  	s0 =	sand.u32 $0x1, s1  }
0x8c: {  	s18 =	sshll.u32 s0, $0xA;
	s2 =	sadd.s32 s3, s2  }
0x8d: {  	s2 =	sadd.s32 s2, s18  }
0x8e: {  	[smem:$0x3FC6] =	sst s2  }
0x8f: {  	_ = 	snop  }
0x90: {  	s2 =	sld [smem:$0x3FC9]  }
0x91: {  	s19 =	sld [smem:$0x3FC8]  }
0x92: {  	s4 =	sld [smem:$0x3FD0];
	(tm) =	ssettm $0x1  }
0x93: {  	s5 =	sld [smem:$0x3FFB];
	_ =	sdelay $0x3  }
0x94: {  	_ =	strace s5  }
0x95: {  	s5 =	sld [smem:$0x3FFC];
	_ =	sdelay $0x3  }
0x96: {  	_ =	strace s5  }
0x97: {  	s5 =	sld [smem:$0x3FFD];
	_ =	sdelay $0x3  }
0x98: {  	_ =	strace s5  }
0x99: {  	_ =	strace $0x8FFFFFFF  }
0x9a: {  	s20 =	sld [smem:$0x3FDB];
	_ =	sdelay $0x1  }
0x9b: {  	s6 =	simm.s32 $_scs_section_size  }
0x9c: {  	s7 =	simm.s32 $_size__tile_overlayer_lowered;
	s8 =	simm.s32 $_tile_overlayer_lowered  }
0x9d: {  	s23 =	simm.s32 $0x1BFF;
	s22 =	sshll.u32 s8, $0x1;
	s5 =	sadd.s32 s6, s20  }
0x9e: {  	s9 =	simm.s32 $0x0;
	s21 =	sshll.u32 s7, $0x1;
	s7 =	sadd.s32 s22, s5  }
0x9f: {  	[timem:s9], [sflag:s23] =	dma.local [hbm:s7], s21  }
0xa0: {  	_ =	swait.ge [sflag:s23], s21  }
0xa1: {  	s6 =	ssub.s32 $0x0, s21;
	[sflag:s23] =	ssyncset.done $0x0  }
0xa2: {  	[sflag:s23] =	ssyncadd.s32 s6;
	_ =	sdelay $0x1  }
0xa3: {  	s24 =	simm.s32 $0x1B8B  }
0xa4: {  	_ =	swait.ge [sflag:s24], $0x1  }
0xa5: {  	[sflag:s24] =	ssyncset.done $0x0  }
0xa6: {  	s25 =	simm.s32 $0x1B8E;
	[sflag:s24] =	ssyncadd.s32 $0xFFFFFFFF  }
0xa7: {  	s26 =	simm.s32 $execute0_lowered;
	[smem:$0x3FD2] =	sst s25  }
0xa8: {  	s6 =	sshll.u32 s26, $0x1;
	_ =	strace $0x80000046;
	[dreg:$0x1] =	wrdreg $0xFFFFFFFF  }
0xa9: {  	s28 =	simm.s32 $_size_execute0_lowered;
	s5 =	sadd.s32 s5, s6;
	[dreg:$0x0] =	wrdreg $0x0  }
0xaa: {  	s6 =	sshll.u32 s28, $0x1;
	[dreg:$0x2] =	wrdreg s5  }
0xab: {  	[dreg:$0x3] =	wrdreg s6  }
0xac: {  	[dreg:$0x4] =	wrdreg $0xC0  }
0xad: {  	_ =	task [dreg:s9], $0x5FFFF  }
0xae: {  	[dreg:$0x1] =	wrdreg $0xFFFFFFFF  }
0xaf: {  	[dreg:$0x0] =	wrdreg $0x60  }
0xb0: {  	[dreg:$0x2] =	wrdreg s2  }
0xb1: {  	[dreg:$0x3] =	wrdreg s19  }
0xb2: {  	[dreg:$0x4] =	wrdreg s4  }
0xb3: {  	[dreg:$0x5] =	wrdreg $0x9  }
0xb4: {  	_ =	task.clear_ibuf [dreg:s9], $0x6FFFF;
	_ =	strace $0x90000046  }
0xb5: {  	s29 =	simm.s32 $0x9;
	_ =	strace $0x80000048  }
0xb6: {  	_ =	swait.ge [sflag:s29], $0x1  }
0xb7: {  	[sflag:s29] =	ssyncadd.s32 $0xFFFFFFFF  }
0xb8: {  	_ =	strace $0x90000048  }
0xb9: {  	_ =	sfence  }
0xba: {  	s30 =	sld [smem:$0x0];
	_ =	sdelay $0x2  }
0xbb: {  	s31 =	sshll.u32 s1, $0xD;
	s1 =	sshrl.u32 s1, $0x2  }
0xbc: {  	s3 =	sand.u32 $0x4000, s31;
	s1 =	sadd.s32 s1, s30  }
0xbd: {  	s0 =	sor.u32 s3, s0;
	s1 =	sshll.u32 s1, $0x11  }
0xbe: {  	s0 =	sor.u32 s1, s0  }
0xbf: {  	s0 =	sadd.s32 $0x8F2B, s0  }
0xc0: {  	[sflag:s0] =	ssyncadd.remote.s32 $0x1  }
0xc1: {  	_ =	sfence.sel $0xFFFF  }
0xc2: {  	[dreg:$0x0] =	wrdreg $0xFFFFFFFF;
	(pc) =	sbr.abs _section_cstart, $3  }
0xc3: {  	[dreg:$0x1] =	wrdreg $0xFFFFFFFF  }
0xc4: {  	_ =	task.clear_ibuf [dreg:s9], $0x2FFFF;
	_ =	strace $0x9FFFFFFF  }
0xc5: {  	(tm) =	ssettm $0x7FFFFFFF  }
tec
execute0_lowered:
.L_overlay_start_1:
0x0: {  	(tag) =	ssettag $0x1  }
0x1: {  	s1 =	rddreg [dreg:$0x0]  }
0x2: {  	s2 =	rddreg [dreg:$0x1]  }
0x3: {  	s0 =	rddreg [dreg:$0x2]  }
0x4: {  	s3 =	srdreg.scid;
	s7 =	simm.s32 $0x0;
	s5 =	stileid.u32  }
0x5: {  	s3 =	sand.u32 $0x1, s3;
	s5 =	sshll.u32 s5, $0x10;
	[smem:$0x7FF] =	sst s7  }
0x6: {  	s4 =	ssub.s32 $0x2, s3;
	s6 =	sshll.u32 s3, $0xF;
	s17 =	sadd.s32 s5, s1  }
0x7: {  	_ =	strace $0x80000047;
	s19 =	sadd.s32 s5, s2;
	s18 =	sadd.s32 s6, s17  }
0x8: {  	s7 =	sor.u32 s6, s5;
	s21 =	sadd.s32 s6, s19;
	[dreg:$0x6] =	wrdreg s18  }
0x9: {  	s5 =	sadd.s32 s5, s0;
	s8 =	sadd.s32 s2, s7;
	[dreg:$0x7] =	wrdreg s21  }
0xa: {  	s23 =	sshrl.u32 s4, $0x1;
	s5 =	sadd.s32 s6, s5;
	[dreg:$0x10] =	wrdreg s8  }
0xb: {  	s3 =	ssub.s32 s4, s23;
	s16 =	sadd.s32 s7, s0;
	[dreg:$0x9] =	wrdreg s5  }
0xc: {  	s4 =	sor.u32 $0x40, s7;
	s11 =	sadd.s32 s1, s7;
	[dreg:$0x1a] =	wrdreg s16  }
0xd: {  	s25 =	sor.u32 $0x400, s7;
	s24 =	sadd.s32 s2, s4;
	[dreg:$0x11] =	wrdreg s11  }
0xe: {  	s9 =	sor.u32 $0x440, s7;
	s10 =	sadd.s32 s2, s25;
	[dreg:$0x12] =	wrdreg s24  }
0xf: {  	s28 =	sor.u32 $0x800, s7;
	s26 =	sadd.s32 s2, s9;
	[dreg:$0x14] =	wrdreg s10  }
0x10: {  	s20 =	sor.u32 $0x840, s7;
	s30 =	sadd.s32 s2, s28;
	[dreg:$0x16] =	wrdreg s26  }
0x11: {  	s22 =	sadd.s32 s2, s20;
	[dreg:$0x18] =	wrdreg s30  }
0x12: {  	s21 =	sor.u32 $0x7C00, s7;
	s23 =	sadd.s32 s1, s20;
	[dreg:$0x1b] =	wrdreg s22  }
0x13: {  	s12 =	sadd.s32 s1, s4;
	s4 =	sadd.s32 s0, s4;
	[dreg:$0x1c] =	wrdreg s23  }
0x14: {  	s5 =	sadd.s32 s0, s21;
	[dreg:$0x1d] =	wrdreg s4  }
0x15: {  	s6 =	smax.u32 s3, $0x1;
	[smem:$0x7E8] =	sst s5  }
0x16: {  	[smem:$0x7EA] =	sst s6  }
0x17: {  	s13 =	sadd.s32 s1, s25;
	[dreg:$0x13] =	wrdreg s12  }
0x18: {  	s29 =	sor.u32 $0x1400, s7;
	s14 =	sadd.s32 s1, s9;
	[dreg:$0x15] =	wrdreg s13  }
0x19: {  	s15 =	sadd.s32 s1, s28;
	s31 =	sadd.s32 s29, s2;
	[dreg:$0x17] =	wrdreg s14  }
0x1a: {  	s9 =	sadd.s32 s29, s1;
	s8 =	sadd.s32 $0x40, s31;
	[dreg:$0x19] =	wrdreg s15  }
0x1b: {  	s19 =	sor.u32 $0x7800, s7;
	s10 =	sadd.s32 $0x40, s9;
	[dreg:$0x4] =	wrdreg s8  }
0x1c: {  	s25 =	sor.u32 $0x1000, s7;
	s24 =	sadd.s32 $0x840, s16;
	[dreg:$0x5] =	wrdreg s10  }
0x1d: {  	s20 =	sor.u32 $0x7840, s7;
	s22 =	sadd.s32 s2, s19;
	[dreg:$0x8] =	wrdreg s24  }
0x1e: {  	s26 =	sadd.s32 s25, s2;
	s23 =	sadd.s32 s2, s20;
	[dreg:$0x1e] =	wrdreg s22  }
0x1f: {  	s29 =	sadd.s32 s25, s1;
	s25 =	sadd.s32 s1, s19;
	[dreg:$0x1f] =	wrdreg s23  }
0x20: {  	s28 =	sadd.s32 $0x40, s26;
	[smem:$0x7E2] =	sst s25  }
0x21: {  	s30 =	sadd.s32 $0x40, s29;
	[dreg:$0xa] =	wrdreg s28  }
0x22: {  	s31 =	sor.u32 $0xC00, s7;
	s8 =	sadd.s32 $0x440, s16;
	[dreg:$0xb] =	wrdreg s30  }
0x23: {  	s7 =	sor.u32 $0x7C40, s7;
	s24 =	sadd.s32 s2, s21;
	[dreg:$0xc] =	wrdreg s8  }
0x24: {  	s9 =	sadd.s32 s31, s2;
	s2 =	sadd.s32 s2, s7;
	[smem:$0x7E0] =	sst s24  }
0x25: {  	s26 =	sadd.s32 s1, s20;
	[smem:$0x7E1] =	sst s2  }
0x26: {  	s29 =	sadd.s32 s0, s19;
	[smem:$0x7E3] =	sst s26  }
0x27: {  	s19 =	sadd.s32 $0x100000, s12;
	[smem:$0x7E6] =	sst s29  }
0x28: {  	s22 =	sadd.s32 $0x100000, s13;
	[smem:$0x7F2] =	sst s19  }
0x29: {  	s23 =	sadd.s32 $0x200000, s13;
	[smem:$0x7F5] =	sst s22  }
0x2a: {  	s25 =	sadd.s32 $0x100000, s14;
	[smem:$0x7F6] =	sst s23  }
0x2b: {  	s17 =	sadd.s32 s31, s1;
	s10 =	sadd.s32 $0x40, s9;
	[smem:$0x7F8] =	sst s25  }
0x2c: {  	s18 =	sadd.s32 $0x40, s17;
	[dreg:$0xd] =	wrdreg s10  }
0x2d: {  	s28 =	sadd.s32 s1, s21;
	[dreg:$0xe] =	wrdreg s18  }
0x2e: {  	s1 =	sadd.s32 s1, s7;
	[smem:$0x7E4] =	sst s28  }
0x2f: {  	s30 =	sadd.s32 s31, s0;
	s31 =	sadd.s32 s0, s20;
	[smem:$0x7E5] =	sst s1  }
0x30: {  	s0 =	sadd.s32 s0, s7;
	[smem:$0x7E7] =	sst s31  }
0x31: {  	s7 =	sadd.s32 $0x7000, s16;
	[smem:$0x7E9] =	sst s0  }
0x32: {  	s8 =	sadd.s32 $0x7040, s16;
	[smem:$0x7EB] =	sst s7  }
0x33: {  	s9 =	sadd.s32 $0x7400, s16;
	[smem:$0x7EC] =	sst s8  }
0x34: {  	s17 =	sadd.s32 $0x200000, s11;
	[smem:$0x7ED] =	sst s9  }
0x35: {  	s20 =	sadd.s32 $0x200000, s12;
	[smem:$0x7F0] =	sst s17  }
0x36: {  	s21 =	sadd.s32 $0x300000, s12;
	[smem:$0x7F3] =	sst s20  }
0x37: {  	s24 =	sadd.s32 $0x300000, s13;
	[smem:$0x7F4] =	sst s21  }
0x38: {  	s26 =	sadd.s32 $0x200000, s14;
	[smem:$0x7F7] =	sst s24  }
0x39: {  	s29 =	sadd.s32 $0x100000, s15;
	[smem:$0x7F9] =	sst s26  }
0x3a: {  	s1 =	sadd.s32 $0x40, s30;
	[smem:$0x7FB] =	sst s29  }
0x3b: {  	s6 =	simm.s32 $0x200;
	s10 =	sadd.s32 $0x7440, s16;
	[dreg:$0xf] =	wrdreg s1  }
0x3c: {  	s23 =	simm.s32 $0x5000;
	s16 =	sadd.s32 $0x100000, s11;
	[smem:$0x7EE] =	sst s10  }
0x3d: {  	s13 =	simm.s32 $0x12;
	s18 =	sadd.s32 $0x300000, s11;
	[smem:$0x7EF] =	sst s16  }
0x3e: {  	s28 =	sadd.s32 $0x300000, s14;
	s30 =	sadd.s32 $0x200000, s15;
	[smem:$0x7F1] =	sst s18  }
0x3f: {  	s31 =	sadd.s32 $0x300000, s15;
	s14 =	simm.s32 $0x400;
	[smem:$0x7FA] =	sst s28  }
0x40: {  	s7 =	simm.s32 $0x4000;
	s11 =	simm.s32 $0xC;
	[smem:$0x7FC] =	sst s30  }
0x41: {  	s15 =	simm.s32 $0x11;
	s0 =	simm.s32 $0x0;
	[smem:$0x7FD] =	sst s31  }
.LBB2_1:
0x42: {  	[smem:$0x7DF] =	sst s0  }
0x43: {  	s21 =	rddreg [dreg:$0x10]  }
0x44: {  	s5 =	simm.s32 $0x0;
	s25 =	rddreg [dreg:$0x11]  }
0x45: {  	[tilespmem:s5], [sflag:$0x1] =	stream.strided.gather [hbm4b:s21+s6], $0x1000, s14, s6, $0x38;
	[tilespmem:$0x1E000] =	vst v63  }
0x46: {  	s26 =	simm.s32 $0x6000;
	s28 =	sld [smem:$0x7EF]  }
0x47: {  	[tilespmem:s26], [sflag:$0x7] =	stream.strided.gather [hbm4b:s25+s6], $0x1000, s14, s6, $0x38;
	[tilespmem:$0x1E000] =	vst v63  }
0x48: {  	s29 =	simm.s32 $0x7000;
	s30 =	sld [smem:$0x7F0]  }
0x49: {  	[tilespmem:s29], [sflag:$0x7] =	stream.strided.gather [hbm4b:s28+s6], $0x1000, s14, s6, $0x38;
	[tilespmem:$0x1E000] =	vst v63  }
0x4a: {  	s31 =	simm.s32 $0x8000;
	s1 =	sld [smem:$0x7F1]  }
0x4b: {  	[tilespmem:s31], [sflag:$0x7] =	stream.strided.gather [hbm4b:s30+s6], $0x1000, s14, s6, $0x38;
	[tilespmem:$0x1E000] =	vst v63  }
0x4c: {  	s4 =	simm.s32 $0x9000;
	s8 =	rddreg [dreg:$0x12]  }
0x4d: {  	[tilespmem:s4], [sflag:$0x7] =	stream.strided.gather [hbm4b:s1+s6], $0x1000, s14, s6, $0x38;
	[tilespmem:$0x1E000] =	vst v63  }
0x4e: {  	s10 =	rddreg [dreg:$0x13];
	s29 =	simm.s32 $0x1000  }
0x4f: {  	[tilespmem:s29], [sflag:$0x2] =	stream.strided.gather [hbm4b:s8+s6], $0x1000, s14, s6, $0x38;
	[tilespmem:$0x1E000] =	vst v63  }
0x50: {  	s16 =	simm.s32 $0xA000;
	s17 =	sld [smem:$0x7F2]  }
0x51: {  	[tilespmem:s16], [sflag:$0x8] =	stream.strided.gather [hbm4b:s10+s6], $0x1000, s14, s6, $0x38;
	[tilespmem:$0x1E000] =	vst v63  }
0x52: {  	s18 =	simm.s32 $0xB000;
	s19 =	sld [smem:$0x7F3]  }
0x53: {  	[tilespmem:s18], [sflag:$0x8] =	stream.strided.gather [hbm4b:s17+s6], $0x1000, s14, s6, $0x38;
	[tilespmem:$0x1E000] =	vst v63  }
0x54: {  	s20 =	simm.s32 $0xC000;
	s22 =	sld [smem:$0x7F4]  }
0x55: {  	[tilespmem:s20], [sflag:$0x8] =	stream.strided.gather [hbm4b:s19+s6], $0x1000, s14, s6, $0x38;
	[tilespmem:$0x1E000] =	vst v63  }
0x56: {  	s24 =	rddreg [dreg:$0x14];
	s31 =	simm.s32 $0xD000  }
0x57: {  	[tilespmem:s31], [sflag:$0x8] =	stream.strided.gather [hbm4b:s22+s6], $0x1000, s14, s6, $0x38;
	[tilespmem:$0x1E000] =	vst v63  }
0x58: {  	s26 =	simm.s32 $0x2000;
	s28 =	rddreg [dreg:$0x15]  }
0x59: {  	[tilespmem:s26], [sflag:$0x3] =	stream.strided.gather [hbm4b:s24+s6], $0x1000, s14, s6, $0x38;
	[tilespmem:$0x1E000] =	vst v63  }
0x5a: {  	s30 =	sld [smem:$0x7F5];
	s17 =	simm.s32 $0xE000  }
0x5b: {  	[tilespmem:s17], [sflag:$0x9] =	stream.strided.gather [hbm4b:s28+s6], $0x1000, s14, s6, $0x38;
	[tilespmem:$0x1E000] =	vst v63  }
0x5c: {  	s0 =	sld [smem:$0x7F6];
	s18 =	simm.s32 $0xF000  }
0x5d: {  	[tilespmem:s18], [sflag:$0x9] =	stream.strided.gather [hbm4b:s30+s6], $0x1000, s14, s6, $0x38;
	[tilespmem:$0x1E000] =	vst v63  }
0x5e: {  	s1 =	sld [smem:$0x7F7];
	s19 =	simm.s32 $0x10000  }
0x5f: {  	[tilespmem:s19], [sflag:$0x9] =	stream.strided.gather [hbm4b:s0+s6], $0x1000, s14, s6, $0x38;
	[tilespmem:$0x1E000] =	vst v63  }
0x60: {  	s4 =	rddreg [dreg:$0x16];
	s20 =	simm.s32 $0x11000  }
0x61: {  	[tilespmem:s20], [sflag:$0x9] =	stream.strided.gather [hbm4b:s1+s6], $0x1000, s14, s6, $0x38;
	[tilespmem:$0x1E000] =	vst v63  }
0x62: {  	s10 =	simm.s32 $0x3000;
	s16 =	rddreg [dreg:$0x17]  }
0x63: {  	[tilespmem:s10], [sflag:$0x4] =	stream.strided.gather [hbm4b:s4+s6], $0x1000, s14, s6, $0x38;
	[tilespmem:$0x1E000] =	vst v63  }
0x64: {  	s22 =	sld [smem:$0x7F8];
	s24 =	simm.s32 $0x12000  }
0x65: {  	[tilespmem:s24], [sflag:$0xA] =	stream.strided.gather [hbm4b:s16+s6], $0x1000, s14, s6, $0x38;
	[tilespmem:$0x1E000] =	vst v63  }
0x66: {  	s26 =	sld [smem:$0x7F9];
	s30 =	simm.s32 $0x13000  }
0x67: {  	[tilespmem:s30], [sflag:$0xA] =	stream.strided.gather [hbm4b:s22+s6], $0x1000, s14, s6, $0x38;
	[tilespmem:$0x1E000] =	vst v63  }
0x68: {  	s28 =	simm.s32 $0x14000;
	s0 =	sld [smem:$0x7FA]  }
0x69: {  	[tilespmem:s28], [sflag:$0xA] =	stream.strided.gather [hbm4b:s26+s6], $0x1000, s14, s6, $0x38;
	[tilespmem:$0x1E000] =	vst v63  }
0x6a: {  	s1 =	simm.s32 $0x15000;
	s4 =	rddreg [dreg:$0x18]  }
0x6b: {  	[tilespmem:s1], [sflag:$0xA] =	stream.strided.gather [hbm4b:s0+s6], $0x1000, s14, s6, $0x38;
	[tilespmem:$0x1E000] =	vst v63  }
0x6c: {  	s10 =	rddreg [dreg:$0x19]  }
0x6d: {  	[tilespmem:s7], [sflag:$0x5] =	stream.strided.gather [hbm4b:s4+s6], $0x1000, s14, s6, $0x38;
	[tilespmem:$0x1E000] =	vst v63  }
0x6e: {  	s16 =	simm.s32 $0x16000;
	s22 =	sld [smem:$0x7FB]  }
0x6f: {  	[tilespmem:s16], [sflag:$0xB] =	stream.strided.gather [hbm4b:s10+s6], $0x1000, s14, s6, $0x38;
	[tilespmem:$0x1E000] =	vst v63  }
0x70: {  	s26 =	simm.s32 $0x17000;
	s0 =	sld [smem:$0x7FC]  }
0x71: {  	[tilespmem:s26], [sflag:$0xB] =	stream.strided.gather [hbm4b:s22+s6], $0x1000, s14, s6, $0x38;
	[tilespmem:$0x1E000] =	vst v63  }
0x72: {  	s1 =	simm.s32 $0x18000;
	s4 =	sld [smem:$0x7FD]  }
0x73: {  	[tilespmem:s1], [sflag:$0xB] =	stream.strided.gather [hbm4b:s0+s6], $0x1000, s14, s6, $0x38;
	[tilespmem:$0x1E000] =	vst v63  }
0x74: {  	s10 =	simm.s32 $0x19000  }
0x75: {  	[tilespmem:s10], [sflag:$0xB] =	stream.strided.gather [hbm4b:s4+s6], $0x1000, s14, s6, $0x38;
	[tilespmem:$0x1E000] =	vst v63  }
0x76: {  	s4 =	simm.s32 $0x1  }
0x77: {  	_ =	swait.ge [sflag:s4], $0x1000  }
0x78: {  	[sflag:s4] =	ssyncset.done $0x0  }
0x79: {  	s10 =	simm.s32 $0x7;
	[sflag:s4] =	ssyncadd.s32 $0xFFFFF000  }
0x7a: {  	_ =	swait.ge [sflag:s10], $0x4000  }
0x7b: {  	[sflag:s10] =	ssyncset.done $0x0  }
0x7c: {  	s2 =	simm.s32 $0x6000;
	s22 =	rddreg [dreg:$0x1a];
	[sflag:s10] =	ssyncadd.s32 $0xFFFFC000  }
0x7d: {  	[hbm4b:s22+s6] =	stream.strided.scatter [tilespmem:s2], [sflag:$0xD], $0x1000, s14, s6, $0x38;
	[tilespmem:$0x1E000] =	vst v63  }
0x7e: {  	s3 =	simm.s32 $0x7000;
	s16 =	sadd.s32 $0x100000, s22  }
0x7f: {  	[hbm4b:s16+s6] =	stream.strided.scatter [tilespmem:s3], [sflag:$0xD], $0x1000, s14, s6, $0x38;
	[tilespmem:$0x1E000] =	vst v63  }
0x80: {  	s9 =	simm.s32 $0x8000;
	s26 =	sadd.s32 $0x200000, s22  }
0x81: {  	[hbm4b:s26+s6] =	stream.strided.scatter [tilespmem:s9], [sflag:$0xD], $0x1000, s14, s6, $0x38;
	[tilespmem:$0x1E000] =	vst v63  }
0x82: {  	s12 =	simm.s32 $0x9000;
	s0 =	sadd.s32 $0x300000, s22  }
0x83: {  	[hbm4b:s0+s6] =	stream.strided.scatter [tilespmem:s12], [sflag:$0xD], $0x1000, s14, s6, $0x38;
	[tilespmem:$0x1E000] =	vst v63  }
0x84: {  	s9 =	rddreg [dreg:$0x1b]  }
0x85: {  	[tilespmem:s23], [sflag:$0x6] =	stream.strided.gather [hbm4b:s9+s6], $0x1000, s14, s6, $0x38;
	[tilespmem:$0x1E000] =	vst v63  }
0x86: {  	s22 =	rddreg [dreg:$0x1c];
	s12 =	simm.s32 $0x1A000  }
0x87: {  	[tilespmem:s12], [sflag:$0xC] =	stream.strided.gather [hbm4b:s22+s6], $0x1000, s14, s6, $0x38;
	[tilespmem:$0x1E000] =	vst v63  }
0x88: {  	s16 =	sadd.s32 $0x100000, s22;
	s23 =	simm.s32 $0x1B000  }
0x89: {  	[tilespmem:s23], [sflag:$0xC] =	stream.strided.gather [hbm4b:s16+s6], $0x1000, s14, s6, $0x38;
	[tilespmem:$0x1E000] =	vst v63  }
0x8a: {  	s9 =	sadd.s32 $0x200000, s22;
	s12 =	simm.s32 $0x1C000  }
0x8b: {  	[tilespmem:s12], [sflag:$0xC] =	stream.strided.gather [hbm4b:s9+s6], $0x1000, s14, s6, $0x38;
	[tilespmem:$0x1E000] =	vst v63  }
0x8c: {  	s16 =	sadd.s32 $0x300000, s22;
	s22 =	simm.s32 $0x1D000;
	s12 =	simm.s32 $0x2  }
0x8d: {  	[tilespmem:s22], [sflag:$0xC] =	stream.strided.gather [hbm4b:s16+s6], $0x1000, s14, s6, $0x38;
	[tilespmem:$0x1E000] =	vst v63  }
0x8e: {  	_ =	swait.ge [sflag:s12], $0x1000  }
0x8f: {  	[sflag:s12] =	ssyncset.done $0x0  }
0x90: {  	s16 =	simm.s32 $0x8;
	[sflag:s12] =	ssyncadd.s32 $0xFFFFF000  }
0x91: {  	_ =	swait.ge [sflag:s16], $0x4000  }
0x92: {  	[sflag:s16] =	ssyncset.done $0x0  }
0x93: {  	s0 =	simm.s32 $0xA000;
	s22 =	rddreg [dreg:$0x1d];
	[sflag:s16] =	ssyncadd.s32 $0xFFFFC000  }
0x94: {  	[hbm4b:s22+s6] =	stream.strided.scatter [tilespmem:s0], [sflag:$0xE], $0x1000, s14, s6, $0x38;
	[tilespmem:$0x1E000] =	vst v63  }
0x95: {  	s8 =	simm.s32 $0xB000;
	s23 =	sadd.s32 $0x100000, s22  }
0x96: {  	[hbm4b:s23+s6] =	stream.strided.scatter [tilespmem:s8], [sflag:$0xE], $0x1000, s14, s6, $0x38;
	[tilespmem:$0x1E000] =	vst v63  }
0x97: {  	s25 =	simm.s32 $0xC000;
	s9 =	sadd.s32 $0x200000, s22  }
0x98: {  	[hbm4b:s9+s6] =	stream.strided.scatter [tilespmem:s25], [sflag:$0xE], $0x1000, s14, s6, $0x38;
	[tilespmem:$0x1E000] =	vst v63  }
0x99: {  	s22 =	sadd.s32 $0x300000, s22;
	s25 =	simm.s32 $0xD  }
0x9a: {  	[hbm4b:s22+s6] =	stream.strided.scatter [tilespmem:s31], [sflag:$0xE], $0x1000, s14, s6, $0x38;
	[tilespmem:$0x1E000] =	vst v63  }
0x9b: {  	_ =	swait.ge [sflag:s25], $0x4000  }
0x9c: {  	s23 =	rddreg [dreg:$0x7]  }
0x9d: {  	[sflag:s25] =	ssyncset.done $0x0;
	s23 =	sadd.s32 $0x0, s23  }
0x9e: {  	s22 =	rddreg [dreg:$0x6];
	[sflag:s25] =	ssyncadd.s32 $0xFFFFC000;
	s21 =	sadd.s32 $0xC00, s23  }
0x9f: {  	[tilespmem:s5], [sflag:$0x1] =	stream.strided.gather [hbm4b:s21+s6], $0x1000, s14, s6, $0x38;
	[tilespmem:$0x1E000] =	vst v63  }
0xa0: {  	s21 =	sadd.s32 $0x0, s22  }
0xa1: {  	s1 =	simm.s32 $0x6000;
	s22 =	sadd.s32 $0xC00, s21  }
0xa2: {  	[tilespmem:s1], [sflag:$0x7] =	stream.strided.gather [hbm4b:s22+s6], $0x1000, s14, s6, $0x38;
	[tilespmem:$0x1E000] =	vst v63  }
0xa3: {  	s2 =	simm.s32 $0x7000;
	s1 =	sadd.s32 $0x100C00, s21  }
0xa4: {  	[tilespmem:s2], [sflag:$0x7] =	stream.strided.gather [hbm4b:s1+s6], $0x1000, s14, s6, $0x38;
	[tilespmem:$0x1E000] =	vst v63  }
0xa5: {  	s3 =	simm.s32 $0x8000;
	s2 =	sadd.s32 $0x200C00, s21  }
0xa6: {  	[tilespmem:s3], [sflag:$0x7] =	stream.strided.gather [hbm4b:s2+s6], $0x1000, s14, s6, $0x38;
	[tilespmem:$0x1E000] =	vst v63  }
0xa7: {  	s26 =	simm.s32 $0x9000;
	s5 =	sadd.s32 $0x300C00, s21;
	s22 =	simm.s32 $0x3  }
0xa8: {  	[tilespmem:s26], [sflag:$0x7] =	stream.strided.gather [hbm4b:s5+s6], $0x1000, s14, s6, $0x38;
	[tilespmem:$0x1E000] =	vst v63  }
0xa9: {  	_ =	swait.ge [sflag:s22], $0x1000  }
0xaa: {  	[sflag:s22] =	ssyncset.done $0x0  }
0xab: {  	s25 =	simm.s32 $0x9;
	[sflag:s22] =	ssyncadd.s32 $0xFFFFF000  }
0xac: {  	_ =	swait.ge [sflag:s25], $0x4000  }
0xad: {  	s26 =	rddreg [dreg:$0x9]  }
0xae: {  	[sflag:s25] =	ssyncset.done $0x0;
	s22 =	sadd.s32 $0x0, s26  }
0xaf: {  	[sflag:s25] =	ssyncadd.s32 $0xFFFFC000;
	s1 =	sadd.s32 $0x400, s22  }
0xb0: {  	[hbm4b:s1+s6] =	stream.strided.scatter [tilespmem:s17], [sflag:$0xF], $0x1000, s14, s6, $0x38;
	[tilespmem:$0x1E000] =	vst v63  }
0xb1: {  	s2 =	sadd.s32 $0x100400, s22  }
0xb2: {  	[hbm4b:s2+s6] =	stream.strided.scatter [tilespmem:s18], [sflag:$0xF], $0x1000, s14, s6, $0x38;
	[tilespmem:$0x1E000] =	vst v63  }
0xb3: {  	s3 =	sadd.s32 $0x200400, s22  }
0xb4: {  	[hbm4b:s3+s6] =	stream.strided.scatter [tilespmem:s19], [sflag:$0xF], $0x1000, s14, s6, $0x38;
	[tilespmem:$0x1E000] =	vst v63  }
0xb5: {  	s26 =	simm.s32 $0xE;
	s5 =	sadd.s32 $0x300400, s22  }
0xb6: {  	[hbm4b:s5+s6] =	stream.strided.scatter [tilespmem:s20], [sflag:$0xF], $0x1000, s14, s6, $0x38;
	[tilespmem:$0x1E000] =	vst v63  }
0xb7: {  	_ =	swait.ge [sflag:s26], $0x4000  }
0xb8: {  	s1 =	rddreg [dreg:$0xd];
	[sflag:s26] =	ssyncset.done $0x0  }
0xb9: {  	s2 =	rddreg [dreg:$0xe];
	[sflag:s26] =	ssyncadd.s32 $0xFFFFC000;
	s25 =	sadd.s32 $0x0, s1  }
0xba: {  	[tilespmem:s29], [sflag:$0x2] =	stream.strided.gather [hbm4b:s25+s6], $0x1000, s14, s6, $0x38;
	[tilespmem:$0x1E000] =	vst v63  }
0xbb: {  	s5 =	sadd.s32 $0x0, s2  }
0xbc: {  	[tilespmem:s0], [sflag:$0x8] =	stream.strided.gather [hbm4b:s5+s6], $0x1000, s14, s6, $0x38;
	[tilespmem:$0x1E000] =	vst v63  }
0xbd: {  	s8 =	simm.s32 $0xB000;
	s26 =	sadd.s32 $0x100000, s5  }
0xbe: {  	[tilespmem:s8], [sflag:$0x8] =	stream.strided.gather [hbm4b:s26+s6], $0x1000, s14, s6, $0x38;
	[tilespmem:$0x1E000] =	vst v63  }
0xbf: {  	s9 =	simm.s32 $0xC000;
	s1 =	sadd.s32 $0x200000, s5  }
0xc0: {  	[tilespmem:s9], [sflag:$0x8] =	stream.strided.gather [hbm4b:s1+s6], $0x1000, s14, s6, $0x38;
	[tilespmem:$0x1E000] =	vst v63  }
0xc1: {  	s2 =	simm.s32 $0x4;
	s25 =	sadd.s32 $0x300000, s5  }
0xc2: {  	[tilespmem:s31], [sflag:$0x8] =	stream.strided.gather [hbm4b:s25+s6], $0x1000, s14, s6, $0x38;
	[tilespmem:$0x1E000] =	vst v63  }
0xc3: {  	_ =	swait.ge [sflag:s2], $0x1000  }
0xc4: {  	[sflag:s2] =	ssyncset.done $0x0  }
0xc5: {  	s5 =	simm.s32 $0xA;
	[sflag:s2] =	ssyncadd.s32 $0xFFFFF000  }
0xc6: {  	_ =	swait.ge [sflag:s5], $0x4000  }
0xc7: {  	s8 =	rddreg [dreg:$0xc];
	[sflag:s5] =	ssyncset.done $0x0  }
0xc8: {  	[sflag:s5] =	ssyncadd.s32 $0xFFFFC000;
	s25 =	sadd.s32 $0x0, s8  }
0xc9: {  	[hbm4b:s25+s6] =	stream.strided.scatter [tilespmem:s24], [sflag:$0x10], $0x1000, s14, s6, $0x38;
	[tilespmem:$0x1E000] =	vst v63  }
0xca: {  	s9 =	sadd.s32 $0x100000, s25  }
0xcb: {  	[hbm4b:s9+s6] =	stream.strided.scatter [tilespmem:s30], [sflag:$0x10], $0x1000, s14, s6, $0x38;
	[tilespmem:$0x1E000] =	vst v63  }
0xcc: {  	s31 =	sadd.s32 $0x200000, s25  }
0xcd: {  	[hbm4b:s31+s6] =	stream.strided.scatter [tilespmem:s28], [sflag:$0x10], $0x1000, s14, s6, $0x38;
	[tilespmem:$0x1E000] =	vst v63  }
0xce: {  	s1 =	simm.s32 $0xF;
	s5 =	simm.s32 $0x15000;
	s25 =	sadd.s32 $0x300000, s25  }
0xcf: {  	[hbm4b:s25+s6] =	stream.strided.scatter [tilespmem:s5], [sflag:$0x10], $0x1000, s14, s6, $0x38;
	[tilespmem:$0x1E000] =	vst v63  }
0xd0: {  	_ =	swait.ge [sflag:s1], $0x4000  }
0xd1: {  	[sflag:s1] =	ssyncset.done $0x0  }
0xd2: {  	s2 =	sadd.s32 $0x1000, s23;
	s8 =	simm.s32 $0x2000;
	[sflag:s1] =	ssyncadd.s32 $0xFFFFC000  }
0xd3: {  	[tilespmem:s8], [sflag:$0x3] =	stream.strided.gather [hbm4b:s2+s6], $0x1000, s14, s6, $0x38;
	[tilespmem:$0x1E000] =	vst v63  }
0xd4: {  	s9 =	sadd.s32 $0x1000, s21  }
0xd5: {  	[tilespmem:s17], [sflag:$0x9] =	stream.strided.gather [hbm4b:s9+s6], $0x1000, s14, s6, $0x38;
	[tilespmem:$0x1E000] =	vst v63  }
0xd6: {  	s17 =	sadd.s32 $0x101000, s21  }
0xd7: {  	[tilespmem:s18], [sflag:$0x9] =	stream.strided.gather [hbm4b:s17+s6], $0x1000, s14, s6, $0x38;
	[tilespmem:$0x1E000] =	vst v63  }
0xd8: {  	s18 =	sadd.s32 $0x201000, s21  }
0xd9: {  	[tilespmem:s19], [sflag:$0x9] =	stream.strided.gather [hbm4b:s18+s6], $0x1000, s14, s6, $0x38;
	[tilespmem:$0x1E000] =	vst v63  }
0xda: {  	s26 =	simm.s32 $0x5;
	s19 =	sadd.s32 $0x301000, s21  }
0xdb: {  	[tilespmem:s20], [sflag:$0x9] =	stream.strided.gather [hbm4b:s19+s6], $0x1000, s14, s6, $0x38;
	[tilespmem:$0x1E000] =	vst v63  }
0xdc: {  	_ =	swait.ge [sflag:s26], $0x1000  }
0xdd: {  	[sflag:s26] =	ssyncset.done $0x0  }
0xde: {  	s31 =	simm.s32 $0xB;
	[sflag:s26] =	ssyncadd.s32 $0xFFFFF000  }
0xdf: {  	_ =	swait.ge [sflag:s31], $0x4000  }
0xe0: {  	[sflag:s31] =	ssyncset.done $0x0  }
0xe1: {  	s1 =	sadd.s32 $0x800, s22;
	s18 =	simm.s32 $0x16000;
	[sflag:s31] =	ssyncadd.s32 $0xFFFFC000  }
0xe2: {  	[hbm4b:s1+s6] =	stream.strided.scatter [tilespmem:s18], [sflag:$0x11], $0x1000, s14, s6, $0x38;
	[tilespmem:$0x1E000] =	vst v63  }
0xe3: {  	s2 =	sadd.s32 $0x100800, s22;
	s17 =	simm.s32 $0x17000  }
0xe4: {  	[hbm4b:s2+s6] =	stream.strided.scatter [tilespmem:s17], [sflag:$0x11], $0x1000, s14, s6, $0x38;
	[tilespmem:$0x1E000] =	vst v63  }
0xe5: {  	s3 =	sadd.s32 $0x200800, s22;
	s2 =	simm.s32 $0x18000  }
0xe6: {  	[hbm4b:s3+s6] =	stream.strided.scatter [tilespmem:s2], [sflag:$0x11], $0x1000, s14, s6, $0x38;
	[tilespmem:$0x1E000] =	vst v63  }
0xe7: {  	s8 =	sadd.s32 $0x300800, s22;
	s9 =	simm.s32 $0x10;
	s1 =	simm.s32 $0x19000  }
0xe8: {  	[hbm4b:s8+s6] =	stream.strided.scatter [tilespmem:s1], [sflag:$0x11], $0x1000, s14, s6, $0x38;
	[tilespmem:$0x1E000] =	vst v63  }
0xe9: {  	_ =	swait.ge [sflag:s9], $0x4000  }
0xea: {  	s31 =	simm.s32 $0x3000;
	s19 =	rddreg [dreg:$0xa];
	[sflag:s9] =	ssyncset.done $0x0  }
0xeb: {  	s20 =	rddreg [dreg:$0xb];
	[sflag:s9] =	ssyncadd.s32 $0xFFFFC000;
	s25 =	sadd.s32 $0x0, s19  }
0xec: {  	[tilespmem:s31], [sflag:$0x4] =	stream.strided.gather [hbm4b:s25+s6], $0x1000, s14, s6, $0x38;
	[tilespmem:$0x1E000] =	vst v63  }
0xed: {  	s3 =	sadd.s32 $0x0, s20  }
0xee: {  	[tilespmem:s24], [sflag:$0xA] =	stream.strided.gather [hbm4b:s3+s6], $0x1000, s14, s6, $0x38;
	[tilespmem:$0x1E000] =	vst v63  }
0xef: {  	s26 =	sadd.s32 $0x100000, s3  }
0xf0: {  	[tilespmem:s30], [sflag:$0xA] =	stream.strided.gather [hbm4b:s26+s6], $0x1000, s14, s6, $0x38;
	[tilespmem:$0x1E000] =	vst v63  }
0xf1: {  	s8 =	sadd.s32 $0x200000, s3  }
0xf2: {  	[tilespmem:s28], [sflag:$0xA] =	stream.strided.gather [hbm4b:s8+s6], $0x1000, s14, s6, $0x38;
	[tilespmem:$0x1E000] =	vst v63  }
0xf3: {  	s9 =	simm.s32 $0x6;
	s25 =	sadd.s32 $0x300000, s3  }
0xf4: {  	[tilespmem:s5], [sflag:$0xA] =	stream.strided.gather [hbm4b:s25+s6], $0x1000, s14, s6, $0x38;
	[tilespmem:$0x1E000] =	vst v63  }
0xf5: {  	_ =	swait.ge [sflag:s9], $0x1000  }
0xf6: {  	[sflag:s9] =	ssyncset.done $0x0  }
0xf7: {  	[sflag:s9] =	ssyncadd.s32 $0xFFFFF000  }
0xf8: {  	_ =	swait.ge [sflag:s11], $0x4000  }
0xf9: {  	s19 =	rddreg [dreg:$0x8];
	[sflag:s11] =	ssyncset.done $0x0  }
0xfa: {  	s9 =	simm.s32 $0x1A000;
	[sflag:s11] =	ssyncadd.s32 $0xFFFFC000;
	s25 =	sadd.s32 $0x0, s19  }
0xfb: {  	[hbm4b:s25+s6] =	stream.strided.scatter [tilespmem:s9], [sflag:$0x12], $0x1000, s14, s6, $0x38;
	[tilespmem:$0x1E000] =	vst v63  }
0xfc: {  	s8 =	simm.s32 $0x1B000;
	s20 =	sadd.s32 $0x100000, s25  }
0xfd: {  	[hbm4b:s20+s6] =	stream.strided.scatter [tilespmem:s8], [sflag:$0x12], $0x1000, s14, s6, $0x38;
	[tilespmem:$0x1E000] =	vst v63  }
0xfe: {  	s3 =	simm.s32 $0x1C000;
	s24 =	sadd.s32 $0x200000, s25  }
0xff: {  	[hbm4b:s24+s6] =	stream.strided.scatter [tilespmem:s3], [sflag:$0x12], $0x1000, s14, s6, $0x38;
	[tilespmem:$0x1E000] =	vst v63  }
0x100: {  	s5 =	simm.s32 $0x1D000;
	s25 =	sadd.s32 $0x300000, s25  }
0x101: {  	[hbm4b:s25+s6] =	stream.strided.scatter [tilespmem:s5], [sflag:$0x12], $0x1000, s14, s6, $0x38;
	[tilespmem:$0x1E000] =	vst v63  }
0x102: {  	_ =	swait.ge [sflag:s15], $0x4000  }
0x103: {  	[sflag:s15] =	ssyncset.done $0x0  }
0x104: {  	s23 =	sadd.s32 $0x1400, s23;
	[sflag:s15] =	ssyncadd.s32 $0xFFFFC000  }
0x105: {  	[tilespmem:s7], [sflag:$0x5] =	stream.strided.gather [hbm4b:s23+s6], $0x1000, s14, s6, $0x38;
	[tilespmem:$0x1E000] =	vst v63  }
0x106: {  	s25 =	sadd.s32 $0x1400, s21  }
0x107: {  	[tilespmem:s18], [sflag:$0xB] =	stream.strided.gather [hbm4b:s25+s6], $0x1000, s14, s6, $0x38;
	[tilespmem:$0x1E000] =	vst v63  }
0x108: {  	s26 =	sadd.s32 $0x101400, s21  }
0x109: {  	[tilespmem:s17], [sflag:$0xB] =	stream.strided.gather [hbm4b:s26+s6], $0x1000, s14, s6, $0x38;
	[tilespmem:$0x1E000] =	vst v63  }
0x10a: {  	s28 =	sadd.s32 $0x201400, s21  }
0x10b: {  	[tilespmem:s2], [sflag:$0xB] =	stream.strided.gather [hbm4b:s28+s6], $0x1000, s14, s6, $0x38;
	[tilespmem:$0x1E000] =	vst v63  }
0x10c: {  	s21 =	sadd.s32 $0x301400, s21  }
0x10d: {  	[tilespmem:s1], [sflag:$0xB] =	stream.strided.gather [hbm4b:s21+s6], $0x1000, s14, s6, $0x38;
	[tilespmem:$0x1E000] =	vst v63  }
0x10e: {  	_ =	swait.ge [sflag:s4], $0x1000  }
0x10f: {  	[sflag:s4] =	ssyncset.done $0x0  }
0x110: {  	[sflag:s4] =	ssyncadd.s32 $0xFFFFF000  }
0x111: {  	_ =	swait.ge [sflag:s10], $0x4000  }
0x112: {  	[sflag:s10] =	ssyncset.done $0x0  }
0x113: {  	s31 =	simm.s32 $0x6000;
	s30 =	sadd.s32 $0xC00, s22;
	[sflag:s10] =	ssyncadd.s32 $0xFFFFC000  }
0x114: {  	[hbm4b:s30+s6] =	stream.strided.scatter [tilespmem:s31], [sflag:$0xD], $0x1000, s14, s6, $0x38;
	[tilespmem:$0x1E000] =	vst v63  }
0x115: {  	s2 =	sadd.s32 $0x100C00, s22;
	s4 =	simm.s32 $0x7000  }
0x116: {  	[hbm4b:s2+s6] =	stream.strided.scatter [tilespmem:s4], [sflag:$0xD], $0x1000, s14, s6, $0x38;
	[tilespmem:$0x1E000] =	vst v63  }
0x117: {  	s7 =	sadd.s32 $0x200C00, s22;
	s10 =	simm.s32 $0x8000  }
0x118: {  	[hbm4b:s7+s6] =	stream.strided.scatter [tilespmem:s10], [sflag:$0xD], $0x1000, s14, s6, $0x38;
	[tilespmem:$0x1E000] =	vst v63  }
0x119: {  	s18 =	simm.s32 $0x9000;
	s17 =	sadd.s32 $0x300C00, s22  }
0x11a: {  	[hbm4b:s17+s6] =	stream.strided.scatter [tilespmem:s18], [sflag:$0xD], $0x1000, s14, s6, $0x38;
	[tilespmem:$0x1E000] =	vst v63  }
0x11b: {  	_ =	swait.ge [sflag:s13], $0x4000  }
0x11c: {  	s23 =	simm.s32 $0x5000;
	s19 =	rddreg [dreg:$0x4];
	[sflag:s13] =	ssyncset.done $0x0  }
0x11d: {  	s20 =	rddreg [dreg:$0x5];
	[sflag:s13] =	ssyncadd.s32 $0xFFFFC000;
	s21 =	sadd.s32 $0x0, s19  }
0x11e: {  	[tilespmem:s23], [sflag:$0x6] =	stream.strided.gather [hbm4b:s21+s6], $0x1000, s14, s6, $0x38;
	[tilespmem:$0x1E000] =	vst v63  }
0x11f: {  	s24 =	sadd.s32 $0x0, s20  }
0x120: {  	[tilespmem:s9], [sflag:$0xC] =	stream.strided.gather [hbm4b:s24+s6], $0x1000, s14, s6, $0x38;
	[tilespmem:$0x1E000] =	vst v63  }
0x121: {  	s22 =	sadd.s32 $0x100000, s24  }
0x122: {  	[tilespmem:s8], [sflag:$0xC] =	stream.strided.gather [hbm4b:s22+s6], $0x1000, s14, s6, $0x38;
	[tilespmem:$0x1E000] =	vst v63  }
0x123: {  	s25 =	sadd.s32 $0x200000, s24  }
0x124: {  	[tilespmem:s3], [sflag:$0xC] =	stream.strided.gather [hbm4b:s25+s6], $0x1000, s14, s6, $0x38;
	[tilespmem:$0x1E000] =	vst v63  }
0x125: {  	s21 =	sadd.s32 $0x300000, s24  }
0x126: {  	[tilespmem:s5], [sflag:$0xC] =	stream.strided.gather [hbm4b:s21+s6], $0x1000, s14, s6, $0x38;
	[tilespmem:$0x1E000] =	vst v63  }
0x127: {  	_ =	swait.ge [sflag:s12], $0x1000  }
0x128: {  	[sflag:s12] =	ssyncset.done $0x0  }
0x129: {  	[sflag:s12] =	ssyncadd.s32 $0xFFFFF000  }
0x12a: {  	_ =	swait.ge [sflag:s16], $0x4000  }
0x12b: {  	s26 =	rddreg [dreg:$0xf];
	[sflag:s16] =	ssyncset.done $0x0  }
0x12c: {  	s29 =	simm.s32 $0xA000;
	[sflag:s16] =	ssyncadd.s32 $0xFFFFC000;
	s28 =	sadd.s32 $0x0, s26  }
0x12d: {  	[hbm4b:s28+s6] =	stream.strided.scatter [tilespmem:s29], [sflag:$0xE], $0x1000, s14, s6, $0x38;
	[tilespmem:$0x1E000] =	vst v63  }
0x12e: {  	s0 =	simm.s32 $0xC000;
	s30 =	simm.s32 $0xB000;
	s21 =	sadd.s32 $0x100000, s28  }
0x12f: {  	[hbm4b:s21+s6] =	stream.strided.scatter [tilespmem:s30], [sflag:$0xE], $0x1000, s14, s6, $0x38;
	[tilespmem:$0x1E000] =	vst v63  }
0x130: {  	s31 =	sadd.s32 $0x200000, s28;
	s23 =	sadd.s32 $0x300000, s28;
	s21 =	simm.s32 $0xC00  }
0x131: {  	[hbm4b:s31+s6] =	stream.strided.scatter [tilespmem:s0], [sflag:$0xE], $0x1000, s14, s6, $0x38;
	[tilespmem:$0x1E000] =	vst v63  }
.LBB2_2:
0x132: {  	s1 =	simm.s32 $0xD000;
	s0 =	simm.s32 $0xD  }
0x133: {  	[hbm4b:s23+s6] =	stream.strided.scatter [tilespmem:s1], [sflag:$0xE], $0x1000, s14, s6, $0x38;
	[tilespmem:$0x1E000] =	vst v63  }
0x134: {  	_ =	swait.ge [sflag:s0], $0x4000  }
0x135: {  	s22 =	smov.u32 s21;
	s16 =	rddreg [dreg:$0x7]  }
0x136: {  	s3 =	simm.s32 $0x0;
	[sflag:s0] =	ssyncset.done $0x0;
	s26 =	sadd.s32 s22, s16  }
0x137: {  	s25 =	rddreg [dreg:$0x6];
	[sflag:s0] =	ssyncadd.s32 $0xFFFFC000;
	s23 =	sadd.s32 $0xC00, s26  }
0x138: {  	[tilespmem:s3], [sflag:$0x1] =	stream.strided.gather [hbm4b:s23+s6], $0x1000, s14, s6, $0x38;
	[tilespmem:$0x1E000] =	vst v63  }
0x139: {  	s23 =	sadd.s32 s22, s25  }
0x13a: {  	s2 =	simm.s32 $0x6000;
	s25 =	sadd.s32 $0xC00, s23  }
0x13b: {  	[tilespmem:s2], [sflag:$0x7] =	stream.strided.gather [hbm4b:s25+s6], $0x1000, s14, s6, $0x38;
	[tilespmem:$0x1E000] =	vst v63  }
0x13c: {  	s20 =	simm.s32 $0x7000;
	s28 =	sadd.s32 $0x100C00, s23  }
0x13d: {  	[tilespmem:s20], [sflag:$0x7] =	stream.strided.gather [hbm4b:s28+s6], $0x1000, s14, s6, $0x38;
	[tilespmem:$0x1E000] =	vst v63  }
0x13e: {  	s9 =	simm.s32 $0x8000;
	s17 =	sadd.s32 $0x200C00, s23  }
0x13f: {  	[tilespmem:s9], [sflag:$0x7] =	stream.strided.gather [hbm4b:s17+s6], $0x1000, s14, s6, $0x38;
	[tilespmem:$0x1E000] =	vst v63  }
0x140: {  	s31 =	simm.s32 $0x9000;
	s18 =	simm.s32 $0x3;
	s28 =	sadd.s32 $0x300C00, s23  }
0x141: {  	[tilespmem:s31], [sflag:$0x7] =	stream.strided.gather [hbm4b:s28+s6], $0x1000, s14, s6, $0x38;
	[tilespmem:$0x1E000] =	vst v63  }
0x142: {  	_ =	swait.ge [sflag:s18], $0x1000  }
0x143: {  	[sflag:s18] =	ssyncset.done $0x0  }
0x144: {  	s19 =	simm.s32 $0x9;
	[sflag:s18] =	ssyncadd.s32 $0xFFFFF000  }
0x145: {  	_ =	swait.ge [sflag:s19], $0x4000  }
0x146: {  	s24 =	rddreg [dreg:$0x9]  }
0x147: {  	[sflag:s19] =	ssyncset.done $0x0;
	s25 =	sadd.s32 s22, s24  }
0x148: {  	s17 =	simm.s32 $0xE000;
	[sflag:s19] =	ssyncadd.s32 $0xFFFFC000;
	s28 =	sadd.s32 $0x400, s25  }
0x149: {  	[hbm4b:s28+s6] =	stream.strided.scatter [tilespmem:s17], [sflag:$0xF], $0x1000, s14, s6, $0x38;
	[tilespmem:$0x1E000] =	vst v63  }
0x14a: {  	s18 =	simm.s32 $0xF000;
	s29 =	sadd.s32 $0x100400, s25  }
0x14b: {  	[hbm4b:s29+s6] =	stream.strided.scatter [tilespmem:s18], [sflag:$0xF], $0x1000, s14, s6, $0x38;
	[tilespmem:$0x1E000] =	vst v63  }
0x14c: {  	s19 =	simm.s32 $0x10000;
	s28 =	sadd.s32 $0x200400, s25  }
0x14d: {  	[hbm4b:s28+s6] =	stream.strided.scatter [tilespmem:s19], [sflag:$0xF], $0x1000, s14, s6, $0x38;
	[tilespmem:$0x1E000] =	vst v63  }
0x14e: {  	s8 =	simm.s32 $0x11000;
	s3 =	simm.s32 $0xE;
	s29 =	sadd.s32 $0x300400, s25  }
0x14f: {  	[hbm4b:s29+s6] =	stream.strided.scatter [tilespmem:s8], [sflag:$0xF], $0x1000, s14, s6, $0x38;
	[tilespmem:$0x1E000] =	vst v63  }
0x150: {  	_ =	swait.ge [sflag:s3], $0x4000  }
0x151: {  	s4 =	simm.s32 $0x1000;
	s28 =	rddreg [dreg:$0xd];
	[sflag:s3] =	ssyncset.done $0x0  }
0x152: {  	s29 =	rddreg [dreg:$0xe];
	[sflag:s3] =	ssyncadd.s32 $0xFFFFC000;
	s28 =	sadd.s32 s22, s28  }
0x153: {  	[tilespmem:s4], [sflag:$0x2] =	stream.strided.gather [hbm4b:s28+s6], $0x1000, s14, s6, $0x38;
	[tilespmem:$0x1E000] =	vst v63  }
0x154: {  	s0 =	simm.s32 $0xA000;
	s28 =	sadd.s32 s22, s29  }
0x155: {  	[tilespmem:s0], [sflag:$0x8] =	stream.strided.gather [hbm4b:s28+s6], $0x1000, s14, s6, $0x38;
	[tilespmem:$0x1E000] =	vst v63  }
0x156: {  	s16 =	simm.s32 $0xB000;
	s29 =	sadd.s32 $0x100000, s28  }
0x157: {  	[tilespmem:s16], [sflag:$0x8] =	stream.strided.gather [hbm4b:s29+s6], $0x1000, s14, s6, $0x38;
	[tilespmem:$0x1E000] =	vst v63  }
0x158: {  	s24 =	simm.s32 $0xC000;
	s5 =	sadd.s32 $0x200000, s28  }
0x159: {  	[tilespmem:s24], [sflag:$0x8] =	stream.strided.gather [hbm4b:s5+s6], $0x1000, s14, s6, $0x38;
	[tilespmem:$0x1E000] =	vst v63  }
0x15a: {  	s7 =	simm.s32 $0x4;
	s28 =	sadd.s32 $0x300000, s28  }
0x15b: {  	[tilespmem:s1], [sflag:$0x8] =	stream.strided.gather [hbm4b:s28+s6], $0x1000, s14, s6, $0x38;
	[tilespmem:$0x1E000] =	vst v63  }
0x15c: {  	_ =	swait.ge [sflag:s7], $0x1000  }
0x15d: {  	[sflag:s7] =	ssyncset.done $0x0  }
0x15e: {  	s10 =	simm.s32 $0xA;
	[sflag:s7] =	ssyncadd.s32 $0xFFFFF000  }
0x15f: {  	_ =	swait.ge [sflag:s10], $0x4000  }
0x160: {  	s12 =	rddreg [dreg:$0xc];
	[sflag:s10] =	ssyncset.done $0x0  }
0x161: {  	s30 =	simm.s32 $0x12000;
	[sflag:s10] =	ssyncadd.s32 $0xFFFFC000;
	s3 =	sadd.s32 s22, s12  }
0x162: {  	[hbm4b:s3+s6] =	stream.strided.scatter [tilespmem:s30], [sflag:$0x10], $0x1000, s14, s6, $0x38;
	[tilespmem:$0x1E000] =	vst v63  }
0x163: {  	s10 =	simm.s32 $0x13000;
	s28 =	sadd.s32 $0x100000, s3  }
0x164: {  	[hbm4b:s28+s6] =	stream.strided.scatter [tilespmem:s10], [sflag:$0x10], $0x1000, s14, s6, $0x38;
	[tilespmem:$0x1E000] =	vst v63  }
0x165: {  	s5 =	simm.s32 $0x14000;
	s29 =	sadd.s32 $0x200000, s3  }
0x166: {  	[hbm4b:s29+s6] =	stream.strided.scatter [tilespmem:s5], [sflag:$0x10], $0x1000, s14, s6, $0x38;
	[tilespmem:$0x1E000] =	vst v63  }
0x167: {  	s7 =	simm.s32 $0x15000;
	s3 =	sadd.s32 $0x300000, s3  }
0x168: {  	[hbm4b:s3+s6] =	stream.strided.scatter [tilespmem:s7], [sflag:$0x10], $0x1000, s14, s6, $0x38;
	[tilespmem:$0x1E000] =	vst v63  }
0x169: {  	s3 =	simm.s32 $0xF  }
0x16a: {  	_ =	swait.ge [sflag:s3], $0x4000  }
0x16b: {  	[sflag:s3] =	ssyncset.done $0x0  }
0x16c: {  	s4 =	sadd.s32 $0x1000, s26;
	s12 =	simm.s32 $0x2000;
	[sflag:s3] =	ssyncadd.s32 $0xFFFFC000  }
0x16d: {  	[tilespmem:s12], [sflag:$0x3] =	stream.strided.gather [hbm4b:s4+s6], $0x1000, s14, s6, $0x38;
	[tilespmem:$0x1E000] =	vst v63  }
0x16e: {  	s28 =	sadd.s32 $0x1000, s23  }
0x16f: {  	[tilespmem:s17], [sflag:$0x9] =	stream.strided.gather [hbm4b:s28+s6], $0x1000, s14, s6, $0x38;
	[tilespmem:$0x1E000] =	vst v63  }
0x170: {  	s4 =	sadd.s32 $0x101000, s23  }
0x171: {  	[tilespmem:s18], [sflag:$0x9] =	stream.strided.gather [hbm4b:s4+s6], $0x1000, s14, s6, $0x38;
	[tilespmem:$0x1E000] =	vst v63  }
0x172: {  	s28 =	sadd.s32 $0x201000, s23  }
0x173: {  	[tilespmem:s19], [sflag:$0x9] =	stream.strided.gather [hbm4b:s28+s6], $0x1000, s14, s6, $0x38;
	[tilespmem:$0x1E000] =	vst v63  }
0x174: {  	s12 =	sadd.s32 $0x301000, s23;
	s17 =	simm.s32 $0x5  }
0x175: {  	[tilespmem:s8], [sflag:$0x9] =	stream.strided.gather [hbm4b:s12+s6], $0x1000, s14, s6, $0x38;
	[tilespmem:$0x1E000] =	vst v63  }
0x176: {  	_ =	swait.ge [sflag:s17], $0x1000  }
0x177: {  	[sflag:s17] =	ssyncset.done $0x0  }
0x178: {  	s18 =	simm.s32 $0xB;
	[sflag:s17] =	ssyncadd.s32 $0xFFFFF000  }
0x179: {  	_ =	swait.ge [sflag:s18], $0x4000  }
0x17a: {  	[sflag:s18] =	ssyncset.done $0x0  }
0x17b: {  	s19 =	sadd.s32 $0x800, s25;
	s8 =	simm.s32 $0x16000;
	[sflag:s18] =	ssyncadd.s32 $0xFFFFC000  }
0x17c: {  	[hbm4b:s19+s6] =	stream.strided.scatter [tilespmem:s8], [sflag:$0x11], $0x1000, s14, s6, $0x38;
	[tilespmem:$0x1E000] =	vst v63  }
0x17d: {  	s28 =	sadd.s32 $0x100800, s25;
	s17 =	simm.s32 $0x17000  }
0x17e: {  	[hbm4b:s28+s6] =	stream.strided.scatter [tilespmem:s17], [sflag:$0x11], $0x1000, s14, s6, $0x38;
	[tilespmem:$0x1E000] =	vst v63  }
0x17f: {  	s1 =	sadd.s32 $0x200800, s25;
	s18 =	simm.s32 $0x18000  }
0x180: {  	[hbm4b:s1+s6] =	stream.strided.scatter [tilespmem:s18], [sflag:$0x11], $0x1000, s14, s6, $0x38;
	[tilespmem:$0x1E000] =	vst v63  }
0x181: {  	s3 =	simm.s32 $0x10;
	s19 =	simm.s32 $0x19000;
	s28 =	sadd.s32 $0x300800, s25  }
0x182: {  	[hbm4b:s28+s6] =	stream.strided.scatter [tilespmem:s19], [sflag:$0x11], $0x1000, s14, s6, $0x38;
	[tilespmem:$0x1E000] =	vst v63  }
0x183: {  	_ =	swait.ge [sflag:s3], $0x4000  }
0x184: {  	s12 =	simm.s32 $0x3000;
	s4 =	rddreg [dreg:$0xa];
	[sflag:s3] =	ssyncset.done $0x0  }
0x185: {  	s28 =	rddreg [dreg:$0xb];
	[sflag:s3] =	ssyncadd.s32 $0xFFFFC000;
	s3 =	sadd.s32 s22, s4  }
0x186: {  	[tilespmem:s12], [sflag:$0x4] =	stream.strided.gather [hbm4b:s3+s6], $0x1000, s14, s6, $0x38;
	[tilespmem:$0x1E000] =	vst v63  }
0x187: {  	s4 =	sadd.s32 s22, s28  }
0x188: {  	[tilespmem:s30], [sflag:$0xA] =	stream.strided.gather [hbm4b:s4+s6], $0x1000, s14, s6, $0x38;
	[tilespmem:$0x1E000] =	vst v63  }
0x189: {  	s28 =	sadd.s32 $0x100000, s4  }
0x18a: {  	[tilespmem:s10], [sflag:$0xA] =	stream.strided.gather [hbm4b:s28+s6], $0x1000, s14, s6, $0x38;
	[tilespmem:$0x1E000] =	vst v63  }
0x18b: {  	s29 =	sadd.s32 $0x200000, s4  }
0x18c: {  	[tilespmem:s5], [sflag:$0xA] =	stream.strided.gather [hbm4b:s29+s6], $0x1000, s14, s6, $0x38;
	[tilespmem:$0x1E000] =	vst v63  }
0x18d: {  	s3 =	sadd.s32 $0x300000, s4;
	s10 =	simm.s32 $0x6  }
0x18e: {  	[tilespmem:s7], [sflag:$0xA] =	stream.strided.gather [hbm4b:s3+s6], $0x1000, s14, s6, $0x38;
	[tilespmem:$0x1E000] =	vst v63  }
0x18f: {  	_ =	swait.ge [sflag:s10], $0x1000  }
0x190: {  	[sflag:s10] =	ssyncset.done $0x0  }
0x191: {  	[sflag:s10] =	ssyncadd.s32 $0xFFFFF000  }
0x192: {  	_ =	swait.ge [sflag:s11], $0x4000  }
0x193: {  	s12 =	rddreg [dreg:$0x8];
	[sflag:s11] =	ssyncset.done $0x0  }
0x194: {  	s5 =	simm.s32 $0x1A000;
	[sflag:s11] =	ssyncadd.s32 $0xFFFFC000;
	s3 =	sadd.s32 s22, s12  }
0x195: {  	[hbm4b:s3+s6] =	stream.strided.scatter [tilespmem:s5], [sflag:$0x12], $0x1000, s14, s6, $0x38;
	[tilespmem:$0x1E000] =	vst v63  }
0x196: {  	s10 =	simm.s32 $0x1B000;
	s28 =	sadd.s32 $0x100000, s3  }
0x197: {  	[hbm4b:s28+s6] =	stream.strided.scatter [tilespmem:s10], [sflag:$0x12], $0x1000, s14, s6, $0x38;
	[tilespmem:$0x1E000] =	vst v63  }
0x198: {  	s4 =	simm.s32 $0x1C000;
	s29 =	sadd.s32 $0x200000, s3  }
0x199: {  	[hbm4b:s29+s6] =	stream.strided.scatter [tilespmem:s4], [sflag:$0x12], $0x1000, s14, s6, $0x38;
	[tilespmem:$0x1E000] =	vst v63  }
0x19a: {  	s12 =	simm.s32 $0x1D000;
	s3 =	sadd.s32 $0x300000, s3  }
0x19b: {  	[hbm4b:s3+s6] =	stream.strided.scatter [tilespmem:s12], [sflag:$0x12], $0x1000, s14, s6, $0x38;
	[tilespmem:$0x1E000] =	vst v63  }
0x19c: {  	_ =	swait.ge [sflag:s15], $0x4000  }
0x19d: {  	[sflag:s15] =	ssyncset.done $0x0  }
0x19e: {  	s1 =	sadd.s32 $0x1400, s26;
	s7 =	simm.s32 $0x4000;
	[sflag:s15] =	ssyncadd.s32 $0xFFFFC000  }
0x19f: {  	[tilespmem:s7], [sflag:$0x5] =	stream.strided.gather [hbm4b:s1+s6], $0x1000, s14, s6, $0x38;
	[tilespmem:$0x1E000] =	vst v63  }
0x1a0: {  	s26 =	sadd.s32 $0x1400, s23  }
0x1a1: {  	[tilespmem:s8], [sflag:$0xB] =	stream.strided.gather [hbm4b:s26+s6], $0x1000, s14, s6, $0x38;
	[tilespmem:$0x1E000] =	vst v63  }
0x1a2: {  	s1 =	sadd.s32 $0x101400, s23  }
0x1a3: {  	[tilespmem:s17], [sflag:$0xB] =	stream.strided.gather [hbm4b:s1+s6], $0x1000, s14, s6, $0x38;
	[tilespmem:$0x1E000] =	vst v63  }
0x1a4: {  	s8 =	sadd.s32 $0x201400, s23  }
0x1a5: {  	[tilespmem:s18], [sflag:$0xB] =	stream.strided.gather [hbm4b:s8+s6], $0x1000, s14, s6, $0x38;
	[tilespmem:$0x1E000] =	vst v63  }
0x1a6: {  	s3 =	simm.s32 $0x1;
	s1 =	sadd.s32 $0x301400, s23  }
0x1a7: {  	[tilespmem:s19], [sflag:$0xB] =	stream.strided.gather [hbm4b:s1+s6], $0x1000, s14, s6, $0x38;
	[tilespmem:$0x1E000] =	vst v63  }
0x1a8: {  	_ =	swait.ge [sflag:s3], $0x1000  }
0x1a9: {  	[sflag:s3] =	ssyncset.done $0x0  }
0x1aa: {  	s8 =	simm.s32 $0x7;
	[sflag:s3] =	ssyncadd.s32 $0xFFFFF000  }
0x1ab: {  	_ =	swait.ge [sflag:s8], $0x4000  }
0x1ac: {  	[sflag:s8] =	ssyncset.done $0x0  }
0x1ad: {  	s18 =	sadd.s32 $0xC00, s25;
	[sflag:s8] =	ssyncadd.s32 $0xFFFFC000  }
0x1ae: {  	[hbm4b:s18+s6] =	stream.strided.scatter [tilespmem:s2], [sflag:$0xD], $0x1000, s14, s6, $0x38;
	[tilespmem:$0x1E000] =	vst v63  }
0x1af: {  	s19 =	sadd.s32 $0x100C00, s25  }
0x1b0: {  	[hbm4b:s19+s6] =	stream.strided.scatter [tilespmem:s20], [sflag:$0xD], $0x1000, s14, s6, $0x38;
	[tilespmem:$0x1E000] =	vst v63  }
0x1b1: {  	s26 =	sadd.s32 $0x200C00, s25  }
0x1b2: {  	[hbm4b:s26+s6] =	stream.strided.scatter [tilespmem:s9], [sflag:$0xD], $0x1000, s14, s6, $0x38;
	[tilespmem:$0x1E000] =	vst v63  }
0x1b3: {  	s1 =	sadd.s32 $0x300C00, s25  }
0x1b4: {  	[hbm4b:s1+s6] =	stream.strided.scatter [tilespmem:s31], [sflag:$0xD], $0x1000, s14, s6, $0x38;
	[tilespmem:$0x1E000] =	vst v63  }
0x1b5: {  	_ =	swait.ge [sflag:s13], $0x4000  }
0x1b6: {  	s9 =	simm.s32 $0x5000;
	s2 =	rddreg [dreg:$0x4];
	[sflag:s13] =	ssyncset.done $0x0  }
0x1b7: {  	s8 =	rddreg [dreg:$0x5];
	[sflag:s13] =	ssyncadd.s32 $0xFFFFC000;
	s3 =	sadd.s32 s22, s2  }
0x1b8: {  	[tilespmem:s9], [sflag:$0x6] =	stream.strided.gather [hbm4b:s3+s6], $0x1000, s14, s6, $0x38;
	[tilespmem:$0x1E000] =	vst v63  }
0x1b9: {  	s18 =	sadd.s32 s22, s8  }
0x1ba: {  	[tilespmem:s5], [sflag:$0xC] =	stream.strided.gather [hbm4b:s18+s6], $0x1000, s14, s6, $0x38;
	[tilespmem:$0x1E000] =	vst v63  }
0x1bb: {  	s23 =	sadd.s32 $0x100000, s18  }
0x1bc: {  	[tilespmem:s10], [sflag:$0xC] =	stream.strided.gather [hbm4b:s23+s6], $0x1000, s14, s6, $0x38;
	[tilespmem:$0x1E000] =	vst v63  }
0x1bd: {  	s19 =	sadd.s32 $0x200000, s18  }
0x1be: {  	[tilespmem:s4], [sflag:$0xC] =	stream.strided.gather [hbm4b:s19+s6], $0x1000, s14, s6, $0x38;
	[tilespmem:$0x1E000] =	vst v63  }
0x1bf: {  	s3 =	sadd.s32 $0x300000, s18;
	s23 =	simm.s32 $0x2  }
0x1c0: {  	[tilespmem:s12], [sflag:$0xC] =	stream.strided.gather [hbm4b:s3+s6], $0x1000, s14, s6, $0x38;
	[tilespmem:$0x1E000] =	vst v63  }
0x1c1: {  	_ =	swait.ge [sflag:s23], $0x1000  }
0x1c2: {  	[sflag:s23] =	ssyncset.done $0x0  }
0x1c3: {  	p0 =	sne.s32 s21, $0x6000;
	s25 =	simm.s32 $0x8;
	[sflag:s23] =	ssyncadd.s32 $0xFFFFF000  }
0x1c4: {  	s21 =	sadd.s32 $0xC00, s21;
	s30 =	simm.s32 $0x18000;
	_ =	swait.ge [sflag:s25], $0x4000  }
0x1c5: {  	s28 =	simm.s32 $0x16000;
	s26 =	rddreg [dreg:$0xf];
	[sflag:s25] =	ssyncset.done $0x0  }
0x1c6: {  	s29 =	simm.s32 $0x17000;
	[sflag:s25] =	ssyncadd.s32 $0xFFFFC000;
	s3 =	sadd.s32 s22, s26  }
0x1c7: {  	[hbm4b:s3+s6] =	stream.strided.scatter [tilespmem:s0], [sflag:$0xE], $0x1000, s14, s6, $0x38;
	[tilespmem:$0x1E000] =	vst v63  }
.Ltmp0:
0x1c8: {  	s17 =	simm.s32 $0x19000;
	s20 =	simm.s32 $0x1B000;
	(pc) =	sbr.rel @p0 .LBB2_2-.Ltmp0, $4  }
0x1c9: {  	s2 =	simm.s32 $0x1C000;
	s9 =	simm.s32 $0x1A000;
	s22 =	sadd.s32 $0x100000, s3  }
0x1ca: {  	[hbm4b:s22+s6] =	stream.strided.scatter [tilespmem:s16], [sflag:$0xE], $0x1000, s14, s6, $0x38;
	[tilespmem:$0x1E000] =	vst v63  }
0x1cb: {  	s4 =	simm.s32 $0x1D000;
	s31 =	sadd.s32 $0x200000, s3;
	s23 =	sadd.s32 $0x300000, s3  }
0x1cc: {  	[hbm4b:s31+s6] =	stream.strided.scatter [tilespmem:s24], [sflag:$0xE], $0x1000, s14, s6, $0x38;
	[tilespmem:$0x1E000] =	vst v63  }
0x1cd: {  	s0 =	simm.s32 $0xD000;
	s18 =	simm.s32 $0xD  }
0x1ce: {  	[hbm4b:s23+s6] =	stream.strided.scatter [tilespmem:s0], [sflag:$0xE], $0x1000, s14, s6, $0x38;
	[tilespmem:$0x1E000] =	vst v63  }
0x1cf: {  	_ =	swait.ge [sflag:s18], $0x4000  }
0x1d0: {  	[sflag:s18] =	ssyncset.done $0x0;
	s21 =	rddreg [dreg:$0x1e]  }
0x1d1: {  	s3 =	simm.s32 $0x0;
	s23 =	sld [smem:$0x7E2];
	[sflag:s18] =	ssyncadd.s32 $0xFFFFC000  }
0x1d2: {  	[tilespmem:s3], [sflag:$0x1] =	stream.strided.gather [hbm4b:s21+s6], $0x1000, s14, s6, $0x38;
	[tilespmem:$0x1E000] =	vst v63  }
0x1d3: {  	s1 =	simm.s32 $0x6000  }
0x1d4: {  	[tilespmem:s1], [sflag:$0x7] =	stream.strided.gather [hbm4b:s23+s6], $0x1000, s14, s6, $0x38;
	[tilespmem:$0x1E000] =	vst v63  }
0x1d5: {  	s25 =	simm.s32 $0x7000;
	s24 =	sadd.s32 $0x100000, s23  }
0x1d6: {  	[tilespmem:s25], [sflag:$0x7] =	stream.strided.gather [hbm4b:s24+s6], $0x1000, s14, s6, $0x38;
	[tilespmem:$0x1E000] =	vst v63  }
0x1d7: {  	s31 =	simm.s32 $0x8000;
	s26 =	sadd.s32 $0x200000, s23  }
0x1d8: {  	[tilespmem:s31], [sflag:$0x7] =	stream.strided.gather [hbm4b:s26+s6], $0x1000, s14, s6, $0x38;
	[tilespmem:$0x1E000] =	vst v63  }
0x1d9: {  	s5 =	simm.s32 $0x9000;
	s10 =	simm.s32 $0x3;
	s1 =	sadd.s32 $0x300000, s23  }
0x1da: {  	[tilespmem:s5], [sflag:$0x7] =	stream.strided.gather [hbm4b:s1+s6], $0x1000, s14, s6, $0x38;
	[tilespmem:$0x1E000] =	vst v63  }
0x1db: {  	_ =	swait.ge [sflag:s10], $0x1000  }
0x1dc: {  	[sflag:s10] =	ssyncset.done $0x0  }
0x1dd: {  	s12 =	simm.s32 $0x9;
	[sflag:s10] =	ssyncadd.s32 $0xFFFFF000  }
0x1de: {  	_ =	swait.ge [sflag:s12], $0x4000  }
0x1df: {  	s8 =	sld [smem:$0x7EB]  }
0x1e0: {  	[sflag:s12] =	ssyncset.done $0x0  }
0x1e1: {  	s16 =	simm.s32 $0xE000;
	[sflag:s12] =	ssyncadd.s32 $0xFFFFC000  }
0x1e2: {  	[hbm4b:s8+s6] =	stream.strided.scatter [tilespmem:s16], [sflag:$0xF], $0x1000, s14, s6, $0x38;
	[tilespmem:$0x1E000] =	vst v63  }
0x1e3: {  	s23 =	simm.s32 $0xF000;
	s19 =	sadd.s32 $0x100000, s8  }
0x1e4: {  	[hbm4b:s19+s6] =	stream.strided.scatter [tilespmem:s23], [sflag:$0xF], $0x1000, s14, s6, $0x38;
	[tilespmem:$0x1E000] =	vst v63  }
0x1e5: {  	s25 =	simm.s32 $0x10000;
	s24 =	sadd.s32 $0x200000, s8  }
0x1e6: {  	[hbm4b:s24+s6] =	stream.strided.scatter [tilespmem:s25], [sflag:$0xF], $0x1000, s14, s6, $0x38;
	[tilespmem:$0x1E000] =	vst v63  }
0x1e7: {  	s31 =	simm.s32 $0x11000;
	s26 =	sadd.s32 $0x300000, s8;
	s16 =	simm.s32 $0xE  }
0x1e8: {  	[hbm4b:s26+s6] =	stream.strided.scatter [tilespmem:s31], [sflag:$0xF], $0x1000, s14, s6, $0x38;
	[tilespmem:$0x1E000] =	vst v63  }
0x1e9: {  	_ =	swait.ge [sflag:s16], $0x4000  }
0x1ea: {  	[sflag:s16] =	ssyncset.done $0x0;
	s5 =	rddreg [dreg:$0x1f]  }
0x1eb: {  	s8 =	simm.s32 $0x1000;
	s23 =	sld [smem:$0x7E3];
	[sflag:s16] =	ssyncadd.s32 $0xFFFFC000  }
0x1ec: {  	[tilespmem:s8], [sflag:$0x2] =	stream.strided.gather [hbm4b:s5+s6], $0x1000, s14, s6, $0x38;
	[tilespmem:$0x1E000] =	vst v63  }
0x1ed: {  	s24 =	simm.s32 $0xA000  }
0x1ee: {  	[tilespmem:s24], [sflag:$0x8] =	stream.strided.gather [hbm4b:s23+s6], $0x1000, s14, s6, $0x38;
	[tilespmem:$0x1E000] =	vst v63  }
0x1ef: {  	s31 =	simm.s32 $0xB000;
	s25 =	sadd.s32 $0x100000, s23  }
0x1f0: {  	[tilespmem:s31], [sflag:$0x8] =	stream.strided.gather [hbm4b:s25+s6], $0x1000, s14, s6, $0x38;
	[tilespmem:$0x1E000] =	vst v63  }
0x1f1: {  	s8 =	simm.s32 $0xC000;
	s5 =	sadd.s32 $0x200000, s23  }
0x1f2: {  	[tilespmem:s8], [sflag:$0x8] =	stream.strided.gather [hbm4b:s5+s6], $0x1000, s14, s6, $0x38;
	[tilespmem:$0x1E000] =	vst v63  }
0x1f3: {  	s0 =	simm.s32 $0xD000;
	s23 =	sadd.s32 $0x300000, s23  }
0x1f4: {  	[tilespmem:s0], [sflag:$0x8] =	stream.strided.gather [hbm4b:s23+s6], $0x1000, s14, s6, $0x38;
	[tilespmem:$0x1E000] =	vst v63  }
0x1f5: {  	s0 =	simm.s32 $0x4  }
0x1f6: {  	_ =	swait.ge [sflag:s0], $0x1000  }
0x1f7: {  	[sflag:s0] =	ssyncset.done $0x0  }
0x1f8: {  	s5 =	simm.s32 $0xA;
	[sflag:s0] =	ssyncadd.s32 $0xFFFFF000  }
0x1f9: {  	_ =	swait.ge [sflag:s5], $0x4000  }
0x1fa: {  	s21 =	sld [smem:$0x7EC]  }
0x1fb: {  	[sflag:s5] =	ssyncset.done $0x0  }
0x1fc: {  	s24 =	simm.s32 $0x12000;
	[sflag:s5] =	ssyncadd.s32 $0xFFFFC000  }
0x1fd: {  	[hbm4b:s21+s6] =	stream.strided.scatter [tilespmem:s24], [sflag:$0x10], $0x1000, s14, s6, $0x38;
	[tilespmem:$0x1E000] =	vst v63  }
0x1fe: {  	s31 =	simm.s32 $0x13000;
	s25 =	sadd.s32 $0x100000, s21  }
0x1ff: {  	[hbm4b:s25+s6] =	stream.strided.scatter [tilespmem:s31], [sflag:$0x10], $0x1000, s14, s6, $0x38;
	[tilespmem:$0x1E000] =	vst v63  }
0x200: {  	s8 =	simm.s32 $0x14000;
	s1 =	sadd.s32 $0x200000, s21  }
0x201: {  	[hbm4b:s1+s6] =	stream.strided.scatter [tilespmem:s8], [sflag:$0x10], $0x1000, s14, s6, $0x38;
	[tilespmem:$0x1E000] =	vst v63  }
0x202: {  	s21 =	sadd.s32 $0x300000, s21;
	s25 =	simm.s32 $0x15000;
	s8 =	simm.s32 $0xF  }
0x203: {  	[hbm4b:s21+s6] =	stream.strided.scatter [tilespmem:s25], [sflag:$0x10], $0x1000, s14, s6, $0x38;
	[tilespmem:$0x1E000] =	vst v63  }
0x204: {  	_ =	swait.ge [sflag:s8], $0x4000  }
0x205: {  	s1 =	sld [smem:$0x7E0]  }
0x206: {  	[sflag:s8] =	ssyncset.done $0x0  }
0x207: {  	s21 =	simm.s32 $0x2000;
	[sflag:s8] =	ssyncadd.s32 $0xFFFFC000  }
0x208: {  	[tilespmem:s21], [sflag:$0x3] =	stream.strided.gather [hbm4b:s1+s6], $0x1000, s14, s6, $0x38;
	[tilespmem:$0x1E000] =	vst v63  }
0x209: {  	s21 =	sld [smem:$0x7E4];
	_ =	sdelay $0x1  }
0x20a: {  	s22 =	simm.s32 $0xE000  }
0x20b: {  	[tilespmem:s22], [sflag:$0x9] =	stream.strided.gather [hbm4b:s21+s6], $0x1000, s14, s6, $0x38;
	[tilespmem:$0x1E000] =	vst v63  }
0x20c: {  	s19 =	simm.s32 $0xF000;
	s1 =	sadd.s32 $0x100000, s21  }
0x20d: {  	[tilespmem:s19], [sflag:$0x9] =	stream.strided.gather [hbm4b:s1+s6], $0x1000, s14, s6, $0x38;
	[tilespmem:$0x1E000] =	vst v63  }
0x20e: {  	s22 =	simm.s32 $0x10000;
	s19 =	sadd.s32 $0x200000, s21  }
0x20f: {  	[tilespmem:s22], [sflag:$0x9] =	stream.strided.gather [hbm4b:s19+s6], $0x1000, s14, s6, $0x38;
	[tilespmem:$0x1E000] =	vst v63  }
0x210: {  	s26 =	simm.s32 $0x11000;
	s19 =	sadd.s32 $0x300000, s21;
	s21 =	simm.s32 $0x5  }
0x211: {  	[tilespmem:s26], [sflag:$0x9] =	stream.strided.gather [hbm4b:s19+s6], $0x1000, s14, s6, $0x38;
	[tilespmem:$0x1E000] =	vst v63  }
0x212: {  	_ =	swait.ge [sflag:s21], $0x1000  }
0x213: {  	[sflag:s21] =	ssyncset.done $0x0  }
0x214: {  	s22 =	simm.s32 $0xB;
	[sflag:s21] =	ssyncadd.s32 $0xFFFFF000  }
0x215: {  	_ =	swait.ge [sflag:s22], $0x4000  }
0x216: {  	s1 =	sld [smem:$0x7ED]  }
0x217: {  	[sflag:s22] =	ssyncset.done $0x0  }
0x218: {  	[sflag:s22] =	ssyncadd.s32 $0xFFFFC000  }
0x219: {  	[hbm4b:s1+s6] =	stream.strided.scatter [tilespmem:s28], [sflag:$0x11], $0x1000, s14, s6, $0x38;
	[tilespmem:$0x1E000] =	vst v63  }
0x21a: {  	s19 =	sadd.s32 $0x100000, s1  }
0x21b: {  	[hbm4b:s19+s6] =	stream.strided.scatter [tilespmem:s29], [sflag:$0x11], $0x1000, s14, s6, $0x38;
	[tilespmem:$0x1E000] =	vst v63  }
0x21c: {  	s22 =	sadd.s32 $0x200000, s1  }
0x21d: {  	[hbm4b:s22+s6] =	stream.strided.scatter [tilespmem:s30], [sflag:$0x11], $0x1000, s14, s6, $0x38;
	[tilespmem:$0x1E000] =	vst v63  }
0x21e: {  	s28 =	sadd.s32 $0x300000, s1  }
0x21f: {  	[hbm4b:s28+s6] =	stream.strided.scatter [tilespmem:s17], [sflag:$0x11], $0x1000, s14, s6, $0x38;
	[tilespmem:$0x1E000] =	vst v63  }
0x220: {  	s17 =	simm.s32 $0x10  }
0x221: {  	_ =	swait.ge [sflag:s17], $0x4000  }
0x222: {  	s29 =	sld [smem:$0x7E1]  }
0x223: {  	[sflag:s17] =	ssyncset.done $0x0  }
0x224: {  	s30 =	simm.s32 $0x3000;
	s19 =	sld [smem:$0x7E5];
	[sflag:s17] =	ssyncadd.s32 $0xFFFFC000  }
0x225: {  	[tilespmem:s30], [sflag:$0x4] =	stream.strided.gather [hbm4b:s29+s6], $0x1000, s14, s6, $0x38;
	[tilespmem:$0x1E000] =	vst v63  }
0x226: {  	s24 =	simm.s32 $0x12000  }
0x227: {  	[tilespmem:s24], [sflag:$0xA] =	stream.strided.gather [hbm4b:s19+s6], $0x1000, s14, s6, $0x38;
	[tilespmem:$0x1E000] =	vst v63  }
0x228: {  	s23 =	simm.s32 $0x13000;
	s22 =	sadd.s32 $0x100000, s19  }
0x229: {  	[tilespmem:s23], [sflag:$0xA] =	stream.strided.gather [hbm4b:s22+s6], $0x1000, s14, s6, $0x38;
	[tilespmem:$0x1E000] =	vst v63  }
0x22a: {  	s31 =	simm.s32 $0x14000;
	s23 =	sadd.s32 $0x200000, s19  }
0x22b: {  	[tilespmem:s31], [sflag:$0xA] =	stream.strided.gather [hbm4b:s23+s6], $0x1000, s14, s6, $0x38;
	[tilespmem:$0x1E000] =	vst v63  }
0x22c: {  	s25 =	simm.s32 $0x15000;
	s28 =	sadd.s32 $0x300000, s19;
	s29 =	simm.s32 $0x6  }
0x22d: {  	[tilespmem:s25], [sflag:$0xA] =	stream.strided.gather [hbm4b:s28+s6], $0x1000, s14, s6, $0x38;
	[tilespmem:$0x1E000] =	vst v63  }
0x22e: {  	_ =	swait.ge [sflag:s29], $0x1000  }
0x22f: {  	[sflag:s29] =	ssyncset.done $0x0  }
0x230: {  	[sflag:s29] =	ssyncadd.s32 $0xFFFFF000  }
0x231: {  	_ =	swait.ge [sflag:s11], $0x4000  }
0x232: {  	s30 =	sld [smem:$0x7EE]  }
0x233: {  	[sflag:s11] =	ssyncset.done $0x0  }
0x234: {  	[sflag:s11] =	ssyncadd.s32 $0xFFFFC000  }
0x235: {  	[hbm4b:s30+s6] =	stream.strided.scatter [tilespmem:s9], [sflag:$0x12], $0x1000, s14, s6, $0x38;
	[tilespmem:$0x1E000] =	vst v63  }
0x236: {  	s31 =	sadd.s32 $0x100000, s30  }
0x237: {  	[hbm4b:s31+s6] =	stream.strided.scatter [tilespmem:s20], [sflag:$0x12], $0x1000, s14, s6, $0x38;
	[tilespmem:$0x1E000] =	vst v63  }
0x238: {  	s1 =	sadd.s32 $0x200000, s30  }
0x239: {  	[hbm4b:s1+s6] =	stream.strided.scatter [tilespmem:s2], [sflag:$0x12], $0x1000, s14, s6, $0x38;
	[tilespmem:$0x1E000] =	vst v63  }
0x23a: {  	s2 =	sadd.s32 $0x300000, s30  }
0x23b: {  	[hbm4b:s2+s6] =	stream.strided.scatter [tilespmem:s4], [sflag:$0x12], $0x1000, s14, s6, $0x38;
	[tilespmem:$0x1E000] =	vst v63  }
0x23c: {  	_ =	swait.ge [sflag:s15], $0x4000  }
0x23d: {  	[sflag:s15] =	ssyncset.done $0x0  }
0x23e: {  	s4 =	simm.s32 $0x1;
	[sflag:s15] =	ssyncadd.s32 $0xFFFFC000  }
0x23f: {  	_ =	swait.ge [sflag:s4], $0x1000  }
0x240: {  	[sflag:s4] =	ssyncset.done $0x0  }
0x241: {  	s9 =	simm.s32 $0x7;
	[sflag:s4] =	ssyncadd.s32 $0xFFFFF000  }
0x242: {  	_ =	swait.ge [sflag:s9], $0x4000  }
0x243: {  	s20 =	sld [smem:$0x7E6]  }
0x244: {  	[sflag:s9] =	ssyncset.done $0x0  }
0x245: {  	s25 =	simm.s32 $0x6000;
	[sflag:s9] =	ssyncadd.s32 $0xFFFFC000  }
0x246: {  	[hbm4b:s20+s6] =	stream.strided.scatter [tilespmem:s25], [sflag:$0xD], $0x1000, s14, s6, $0x38;
	[tilespmem:$0x1E000] =	vst v63  }
0x247: {  	s29 =	simm.s32 $0x7000;
	s28 =	sadd.s32 $0x100000, s20  }
0x248: {  	[hbm4b:s28+s6] =	stream.strided.scatter [tilespmem:s29], [sflag:$0xD], $0x1000, s14, s6, $0x38;
	[tilespmem:$0x1E000] =	vst v63  }
0x249: {  	s31 =	simm.s32 $0x8000;
	s30 =	sadd.s32 $0x200000, s20  }
0x24a: {  	[hbm4b:s30+s6] =	stream.strided.scatter [tilespmem:s31], [sflag:$0xD], $0x1000, s14, s6, $0x38;
	[tilespmem:$0x1E000] =	vst v63  }
0x24b: {  	s2 =	simm.s32 $0x9000;
	s1 =	sadd.s32 $0x300000, s20  }
0x24c: {  	[hbm4b:s1+s6] =	stream.strided.scatter [tilespmem:s2], [sflag:$0xD], $0x1000, s14, s6, $0x38;
	[tilespmem:$0x1E000] =	vst v63  }
0x24d: {  	_ =	swait.ge [sflag:s13], $0x4000  }
0x24e: {  	[sflag:s13] =	ssyncset.done $0x0  }
0x24f: {  	s4 =	simm.s32 $0x2;
	[sflag:s13] =	ssyncadd.s32 $0xFFFFC000  }
0x250: {  	_ =	swait.ge [sflag:s4], $0x1000  }
0x251: {  	[sflag:s4] =	ssyncset.done $0x0  }
0x252: {  	s9 =	simm.s32 $0x8;
	[sflag:s4] =	ssyncadd.s32 $0xFFFFF000  }
0x253: {  	_ =	swait.ge [sflag:s9], $0x4000  }
0x254: {  	s20 =	sld [smem:$0x7E7]  }
0x255: {  	[sflag:s9] =	ssyncset.done $0x0  }
0x256: {  	s25 =	simm.s32 $0xA000;
	[sflag:s9] =	ssyncadd.s32 $0xFFFFC000  }
0x257: {  	[hbm4b:s20+s6] =	stream.strided.scatter [tilespmem:s25], [sflag:$0xE], $0x1000, s14, s6, $0x38;
	[tilespmem:$0x1E000] =	vst v63  }
0x258: {  	s29 =	simm.s32 $0xB000;
	s28 =	sadd.s32 $0x100000, s20  }
0x259: {  	[hbm4b:s28+s6] =	stream.strided.scatter [tilespmem:s29], [sflag:$0xE], $0x1000, s14, s6, $0x38;
	[tilespmem:$0x1E000] =	vst v63  }
0x25a: {  	s31 =	simm.s32 $0xC000;
	s30 =	sadd.s32 $0x200000, s20  }
0x25b: {  	[hbm4b:s30+s6] =	stream.strided.scatter [tilespmem:s31], [sflag:$0xE], $0x1000, s14, s6, $0x38;
	[tilespmem:$0x1E000] =	vst v63  }
0x25c: {  	s2 =	simm.s32 $0xD000;
	s1 =	sadd.s32 $0x300000, s20  }
0x25d: {  	[hbm4b:s1+s6] =	stream.strided.scatter [tilespmem:s2], [sflag:$0xE], $0x1000, s14, s6, $0x38;
	[tilespmem:$0x1E000] =	vst v63  }
0x25e: {  	_ =	swait.ge [sflag:s18], $0x4000  }
0x25f: {  	[sflag:s18] =	ssyncset.done $0x0  }
0x260: {  	[sflag:s18] =	ssyncadd.s32 $0xFFFFC000  }
0x261: {  	_ =	swait.ge [sflag:s10], $0x1000  }
0x262: {  	[sflag:s10] =	ssyncset.done $0x0  }
0x263: {  	[sflag:s10] =	ssyncadd.s32 $0xFFFFF000  }
0x264: {  	_ =	swait.ge [sflag:s12], $0x4000  }
0x265: {  	s4 =	sld [smem:$0x7E8]  }
0x266: {  	[sflag:s12] =	ssyncset.done $0x0  }
0x267: {  	s9 =	simm.s32 $0xE000;
	[sflag:s12] =	ssyncadd.s32 $0xFFFFC000  }
0x268: {  	[hbm4b:s4+s6] =	stream.strided.scatter [tilespmem:s9], [sflag:$0xF], $0x1000, s14, s6, $0x38;
	[tilespmem:$0x1E000] =	vst v63  }
0x269: {  	s12 =	simm.s32 $0xF000;
	s10 =	sadd.s32 $0x100000, s4  }
0x26a: {  	[hbm4b:s10+s6] =	stream.strided.scatter [tilespmem:s12], [sflag:$0xF], $0x1000, s14, s6, $0x38;
	[tilespmem:$0x1E000] =	vst v63  }
0x26b: {  	s20 =	simm.s32 $0x10000;
	s18 =	sadd.s32 $0x200000, s4  }
0x26c: {  	[hbm4b:s18+s6] =	stream.strided.scatter [tilespmem:s20], [sflag:$0xF], $0x1000, s14, s6, $0x38;
	[tilespmem:$0x1E000] =	vst v63  }
0x26d: {  	s26 =	simm.s32 $0x11000;
	s21 =	sadd.s32 $0x300000, s4  }
0x26e: {  	[hbm4b:s21+s6] =	stream.strided.scatter [tilespmem:s26], [sflag:$0xF], $0x1000, s14, s6, $0x38;
	[tilespmem:$0x1E000] =	vst v63  }
0x26f: {  	_ =	swait.ge [sflag:s16], $0x4000  }
0x270: {  	[sflag:s16] =	ssyncset.done $0x0  }
0x271: {  	[sflag:s16] =	ssyncadd.s32 $0xFFFFC000  }
0x272: {  	_ =	swait.ge [sflag:s0], $0x1000  }
0x273: {  	[sflag:s0] =	ssyncset.done $0x0  }
0x274: {  	[sflag:s0] =	ssyncadd.s32 $0xFFFFF000  }
0x275: {  	_ =	swait.ge [sflag:s5], $0x4000  }
0x276: {  	s25 =	sld [smem:$0x7E9]  }
0x277: {  	[sflag:s5] =	ssyncset.done $0x0  }
0x278: {  	s24 =	simm.s32 $0x12000;
	[sflag:s5] =	ssyncadd.s32 $0xFFFFC000  }
0x279: {  	[hbm4b:s25+s6] =	stream.strided.scatter [tilespmem:s24], [sflag:$0x10], $0x1000, s14, s6, $0x38;
	[tilespmem:$0x1E000] =	vst v63  }
0x27a: {  	s22 =	simm.s32 $0x13000;
	s26 =	sadd.s32 $0x100000, s25  }
0x27b: {  	[hbm4b:s26+s6] =	stream.strided.scatter [tilespmem:s22], [sflag:$0x10], $0x1000, s14, s6, $0x38;
	[tilespmem:$0x1E000] =	vst v63  }
0x27c: {  	s23 =	simm.s32 $0x14000;
	s28 =	sadd.s32 $0x200000, s25  }
0x27d: {  	[hbm4b:s28+s6] =	stream.strided.scatter [tilespmem:s23], [sflag:$0x10], $0x1000, s14, s6, $0x38;
	[tilespmem:$0x1E000] =	vst v63  }
0x27e: {  	s19 =	simm.s32 $0x15000;
	s29 =	sadd.s32 $0x300000, s25  }
0x27f: {  	[hbm4b:s29+s6] =	stream.strided.scatter [tilespmem:s19], [sflag:$0x10], $0x1000, s14, s6, $0x38;
	[tilespmem:$0x1E000] =	vst v63  }
0x280: {  	_ =	swait.ge [sflag:s8], $0x4000  }
0x281: {  	[sflag:s8] =	ssyncset.done $0x0  }
0x282: {  	[sflag:s8] =	ssyncadd.s32 $0xFFFFC000  }
0x283: {  	_ =	swait.ge [sflag:s17], $0x4000  }
0x284: {  	s30 =	sld [smem:$0x7DF]  }
0x285: {  	s31 =	sld [smem:$0x7EA];
	_ =	sdelay $0x1  }
0x286: {  	s0 =	sadd.s32 $0x1, s30  }
0x287: {  	p0 =	sne.s32 s0, s31  }
.Ltmp1:
0x288: {  	_ = 	snop;
	(pc) =	sbr.rel @p0 .LBB2_1-.Ltmp1, $3  }
0x289: {  	_ =	sdelay $0x1  }
0x28a: {  	[sflag:s17] =	ssyncset.done $0x0  }
0x28b: {  	s23 =	simm.s32 $0x5000;
	[sflag:s17] =	ssyncadd.s32 $0xFFFFC000  }
0x28c: {  	_ =	sfence.sel $0x180000  }
0x28d: {  	[bflag:$0x0] =	sbarrier.arrive $0xFFFF  }
0x28e: {  	_ =	strace $0x90000047  }
0x28f: {  	s0 =	stileid.u32;
	[bflag:$0x2] =	sbarrier.arrive $0xFFFF  }
0x290: {  	p0 =	sne.s32 s0, $0x0;
	s0 =	rddreg [dreg:$0x3]  }
0x291: {  	s0 =	sadd.s32 @!p0 $0x100000, s0  }
0x292: {  	[sflag:s0] =	ssyncadd.tile.s32 @!p0 $0x1;
	_ =	shalt  }
.Lfunc_end2:
_tile_overlayer_lowered:
.L_overlay_start_2:
0x293: {  	(tag) =	ssettag $0x2  }
0x294: {  	s0 =	rddreg [dreg:$0x0];
	s2 =	stileid.u32  }
0x295: {  	s1 =	rddreg [dreg:$0x1];
	p0 =	sne.s32 s2, $0x0  }
0x296: {  	s3 =	rddreg [dreg:$0x2];
	[bflag:$0x3] =	sbarrier.arrive $0xFFFF;
	s2 =	simm.s32 @!p0 $0x1C13  }
0x297: {  	[timem:s3], [sflag:s2] =	dma.local @!p0 [hbm:s0], s1  }
0x298: {  	s0 =	simm.s32 @!p0 $0x13  }
0x299: {  	_ =	swait.ge @!p0 [sflag:s0], s1  }
0x29a: {  	s1 =	ssub.s32 @!p0 $0x0, s1;
	[sflag:s0] =	ssyncset.done @!p0 $0x0  }
0x29b: {  	[sflag:s0] =	ssyncadd.s32 @!p0 s1  }
0x29c: {  	[bflag:$0x3] =	sbarrier.arrive $0xFFFF  }
0x29d: {  	_ =	shalt  }

</sc_bundles>
